<compile_context>
chip_gen: v7x
topology: tpu7x:2x2x1
jax: 0.10.2.dev20260603
libtpu: 0.0.44.dev20260713+nightly
codegen_flags: <defaults>
</compile_context>

<pallas_src>
import functools

import jax
import jax.numpy as jnp
from jax import lax
from jax.experimental import pallas as pl
from jax.experimental.pallas import tpu as pltpu
from jax.experimental.pallas import tpu_sc as plsc

_N = 10000
_E = 320000
_H1 = 64
_H2 = 32
_H3 = 16
_OUT = 3

_NC = 2
_NS = 16
_NW = _NC * _NS
_EPW = _E // _NW
_CH = 128
_NCK = _E // _CH
_NFULL = 78
_NXTRA = _NCK - _NW * _NFULL
_NBUF = 6
_RPT = 632
_NP = _RPT * _NS

_ROWS_A = 256
_ROWS_B = 4 * _RPT


def _dense_in_body(inp_ref, w1_ref, g1_ref, w2_ref, s1_ref, xa_ref):
    x = jnp.dot(inp_ref[...], w1_ref[...], preferred_element_type=jnp.float32)
    s1_ref[...] = jnp.dot(x, g1_ref[...], preferred_element_type=jnp.float32)
    xa_ref[...] = jnp.dot(x, w2_ref[:_H1, :], preferred_element_type=jnp.float32)


def _mid_body(p1_ref, g2_ref, gnn1_ref, s2_ref):
    g = jnp.tanh(p1_ref[0] + p1_ref[1])
    gnn1_ref[...] = g
    s2_ref[...] = jnp.dot(g, g2_ref[...], preferred_element_type=jnp.float32)


def _out_body(xa_ref, gnn1_ref, p2_ref, w2_ref, out_ref):
    gnn2 = p2_ref[0] + p2_ref[1]
    acc = xa_ref[...]
    acc = acc + jnp.dot(gnn1_ref[...], w2_ref[_H1:_H1 + _H2, :],
                        preferred_element_type=jnp.float32)
    acc = acc + jnp.dot(gnn2, w2_ref[_H1 + _H2:, :],
                        preferred_element_type=jnp.float32)
    out_ref[...] = acc


def _spmm_partials(eidx, table, zeros, feat):
    mesh = plsc.VectorSubcoreMesh(core_axis_name="c", subcore_axis_name="s")

    @functools.partial(
        pl.kernel,
        mesh=mesh,
        out_type=jax.ShapeDtypeStruct((_NC, _NP, feat), jnp.float32),
        scratch_types=[
            pltpu.VMEM((_NFULL + 1, 2, _CH), jnp.int32),
            [pltpu.VMEM((_CH, feat), jnp.float32) for _ in range(_NBUF)],
            pltpu.VMEM((_RPT, feat), jnp.float32),
            pltpu.VMEM_SHARED((_NP, feat), jnp.float32),
            pltpu.VMEM_SHARED((_NP, feat), jnp.float32),
            [pltpu.SemaphoreType.DMA for _ in range(_NBUF)],
            [pltpu.SemaphoreType.DMA for _ in range(_NBUF)],
        ],
        compiler_params=pltpu.CompilerParams(use_tc_tiling_on_sc=False),
    )
    def spmm(eidx_hbm, table_hbm, zeros_hbm, out_hbm,
             idx_v, rows_v, stage_v, tab_sh, acc_sh, gsems, ssems):
        cid = lax.axis_index("c")
        sid = lax.axis_index("s")
        wid = sid * _NC + cid
        rows = pl.ds(sid * _RPT, _RPT)
        pltpu.sync_copy(zeros_hbm.at[rows], stage_v)
        pltpu.sync_copy(stage_v, acc_sh.at[rows])
        pltpu.sync_copy(table_hbm.at[rows], stage_v)
        pltpu.sync_copy(stage_v, tab_sh.at[rows])
        base = _NFULL * wid + jnp.maximum(wid - (_NW - _NXTRA), 0)
        pltpu.sync_copy(eidx_hbm.at[pl.ds(base, _NFULL + 1)], idx_v)
        plsc.subcore_barrier()

        def tab(b):
            return tab_sh

        for b in range(_NBUF):
            pltpu.async_copy(tab(b).at[idx_v.at[b, 0]], rows_v[b], gsems[b])

        def body(g, carry):
            for b in range(_NBUF):
                j = g * _NBUF + b
                pltpu.make_async_copy(tab(b).at[idx_v.at[j, 0]],
                                      rows_v[b], gsems[b]).wait()
                pltpu.async_copy(rows_v[b], acc_sh.at[idx_v.at[j, 1]],
                                 ssems[b], add=True)
                pb = (b - 1) % _NBUF
                jp = j - 1

                @pl.when((jp >= 0) & (jp + _NBUF < _NFULL))
                def _():
                    pltpu.make_async_copy(rows_v[pb],
                                          acc_sh.at[idx_v.at[0, 1]],
                                          ssems[pb]).wait()
                    pltpu.async_copy(tab(pb).at[idx_v.at[jp + _NBUF, 0]],
                                     rows_v[pb], gsems[pb])
            return carry

        lax.fori_loop(0, _NFULL // _NBUF, body, 0)
        for b in range(_NBUF):
            pltpu.make_async_copy(rows_v[b], acc_sh.at[idx_v.at[0, 1]],
                                  ssems[b]).wait()

        @pl.when(wid >= _NW - _NXTRA)
        def _():
            pltpu.async_copy(tab_sh.at[idx_v.at[_NFULL, 0]], rows_v[0],
                             gsems[0]).wait()
            pltpu.sync_copy(rows_v[0], acc_sh.at[idx_v.at[_NFULL, 1]],
                            add=True)

        plsc.subcore_barrier()
        pltpu.sync_copy(acc_sh.at[rows], stage_v)
        pltpu.sync_copy(stage_v, out_hbm.at[cid, rows])

    return spmm(eidx, table, zeros)


def _dense_in(inp, weight1, gcn1_weight, weight2):
    grid = (pl.cdiv(_N, _ROWS_A),)
    return pl.pallas_call(
        _dense_in_body,
        grid=grid,
        in_specs=[
            pl.BlockSpec((_ROWS_A, _N), lambda i: (i, 0)),
            pl.BlockSpec((_N, _H1), lambda i: (0, 0)),
            pl.BlockSpec((_H1, _H2), lambda i: (0, 0)),
            pl.BlockSpec((_H1 + _H2 + _H3, _OUT), lambda i: (0, 0)),
        ],
        out_specs=[
            pl.BlockSpec((_ROWS_A, _H2), lambda i: (i, 0)),
            pl.BlockSpec((_ROWS_A, _OUT), lambda i: (i, 0)),
        ],
        out_shape=[
            jax.ShapeDtypeStruct((_NP, _H2), jnp.float32),
            jax.ShapeDtypeStruct((_N, _OUT), jnp.float32),
        ],
    )(inp, weight1, gcn1_weight, weight2)


def _mid(p1, gcn2_weight):
    grid = (_NP // _ROWS_B,)
    return pl.pallas_call(
        _mid_body,
        grid=grid,
        in_specs=[
            pl.BlockSpec((_NC, _ROWS_B, _H2), lambda i: (0, i, 0)),
            pl.BlockSpec((_H2, _H3), lambda i: (0, 0)),
        ],
        out_specs=[
            pl.BlockSpec((_ROWS_B, _H2), lambda i: (i, 0)),
            pl.BlockSpec((_ROWS_B, _H3), lambda i: (i, 0)),
        ],
        out_shape=[
            jax.ShapeDtypeStruct((_N, _H2), jnp.float32),
            jax.ShapeDtypeStruct((_NP, _H3), jnp.float32),
        ],
    )(p1, gcn2_weight)


def _final(xa, gnn1, p2, weight2):
    grid = (_NP // _ROWS_B,)
    return pl.pallas_call(
        _out_body,
        grid=grid,
        in_specs=[
            pl.BlockSpec((_ROWS_B, _OUT), lambda i: (i, 0)),
            pl.BlockSpec((_ROWS_B, _H2), lambda i: (i, 0)),
            pl.BlockSpec((_NC, _ROWS_B, _H3), lambda i: (0, i, 0)),
            pl.BlockSpec((_H1 + _H2 + _H3, _OUT), lambda i: (0, 0)),
        ],
        out_specs=pl.BlockSpec((_ROWS_B, _OUT), lambda i: (i, 0)),
        out_shape=jax.ShapeDtypeStruct((_N, _OUT), jnp.float32),
    )(xa, gnn1, p2, weight2)


def kernel(inp, edge_index, weight1, gcn1_weight, gcn2_weight, weight2):
    eidx = (edge_index.astype(jnp.int32)
            .reshape(2, _NCK, _CH).transpose(1, 0, 2))
    zeros2 = jnp.zeros((_NP, _H2), jnp.float32)
    zeros3 = jnp.zeros((_NP, _H3), jnp.float32)

    s1, xa = _dense_in(inp, weight1, gcn1_weight, weight2)
    p1 = _spmm_partials(eidx, s1, zeros2, _H2)
    gnn1, s2 = _mid(p1, gcn2_weight)
    p2 = _spmm_partials(eidx, s2, zeros3, _H3)
    return _final(xa, gnn1, p2, weight2)

# --- scband reference (transcript-rebuilt; emitter-appended) ---
"""Pipeline reference for scband-layout-net-20925080666776 (READ-ONLY COPY).

The authoritative reference and input builder live on the scoring server;
editing this copy changes nothing except your own understanding.
"""

import jax, jax.numpy as jnp
import numpy as np

N = 10000
E = 320000
H1 = 64
H2 = 32
H3 = 16
OUT = 3
LAYOUT_DIM = 3


def _xavier_uniform(key, shape, gain):
    fan_in, fan_out = shape
    a = gain * np.sqrt(6.0 / (fan_in + fan_out))
    return jax.random.uniform(key, shape, jnp.float32, -a, a)


def setup_inputs(seed: int = 0) -> dict:
    key = jax.random.key(seed)
    ks = jax.random.split(key, 8)
    gain = float(N) ** (1.0 / LAYOUT_DIM)
    # forward input: dense feature matrix fed to torch.spmm(inp, weight1)
    inp = jax.random.normal(ks[0], (N, N), dtype=jnp.float32) * 0.01
    # sparse adjacency stored as edge list (row=dst, col=src), ~avg_degree=32
    src = jax.random.randint(ks[1], (E,), 0, N)
    dst = jax.random.randint(ks[2], (E,), 0, N)
    edge_index = jnp.stack([src, dst], axis=0)
    # learned parameters (xavier_uniform with gain = N**(1/layout_dim))
    weight1 = _xavier_uniform(ks[3], (N, H1), gain)
    gcn1_weight = _xavier_uniform(ks[4], (H1, H2), gain)
    gcn2_weight = _xavier_uniform(ks[5], (H2, H3), gain)
    weight2 = _xavier_uniform(ks[6], (H1 + H2 + H3, OUT), gain)
    return {
        "inp": inp,
        "edge_index": edge_index,
        "weight1": weight1,
        "gcn1_weight": gcn1_weight,
        "gcn2_weight": gcn2_weight,
        "weight2": weight2,
    }


def _adj_spmm(edge_index, x):
    # sparse adjacency @ x  (torch.spmm(self.adj_mx, support))
    src = edge_index[0]
    dst = edge_index[1]
    gathered = x[src]  # gather rows by source node
    return jnp.zeros((N, x.shape[1]), dtype=x.dtype).at[dst].add(gathered)


def reference(inp, edge_index, weight1, gcn1_weight, gcn2_weight, weight2):
    # x = spmm(inp, weight1)
    x = inp @ weight1
    # GCN1: support = x @ W1; out = adj @ support; then tanh
    s1 = x @ gcn1_weight
    gnn1 = jnp.tanh(_adj_spmm(edge_index, s1))
    # GCN2
    s2 = gnn1 @ gcn2_weight
    gnn2 = _adj_spmm(edge_index, s2)
    # concat and final projection
    cat = jnp.concatenate([x, gnn1, gnn2], axis=1)
    output = cat @ weight2
    return output

if __name__ == "__main__":
    import jax
    _d = setup_inputs()
    print(jax.jit(kernel)(*tuple(_d.values())))

</pallas_src>

<mosaic_0001>
#map = affine_map<(d0, d1) -> (0, 0, 0)>
#map1 = affine_map<(d0, d1) -> (0, 0)>
module attributes {stable_mosaic.version = 14 : i64} {
  func.func @spmm(%arg0: i32, %arg1: i32, %arg2: memref<2500x2x128xi32, #tpu.memory_space<hbm>>, %arg3: memref<10112x32xf32, #tpu.memory_space<hbm>>, %arg4: memref<10112x32xf32, #tpu.memory_space<hbm>>, %arg5: memref<2x10112x32xf32, #tpu.memory_space<hbm>>, %arg6: memref<79x2x128xi32, #tpu.memory_space<vmem>>, %arg7: memref<128x32xf32, #tpu.memory_space<vmem>>, %arg8: memref<128x32xf32, #tpu.memory_space<vmem>>, %arg9: memref<128x32xf32, #tpu.memory_space<vmem>>, %arg10: memref<128x32xf32, #tpu.memory_space<vmem>>, %arg11: memref<128x32xf32, #tpu.memory_space<vmem>>, %arg12: memref<128x32xf32, #tpu.memory_space<vmem>>, %arg13: memref<632x32xf32, #tpu.memory_space<vmem>>, %arg14: memref<10112x32xf32, #tpu.memory_space<vmem_shared>>, %arg15: memref<10112x32xf32, #tpu.memory_space<vmem_shared>>, %arg16: memref<!tpu.dma_semaphore, #tpu.memory_space<semaphore_mem>>, %arg17: memref<!tpu.dma_semaphore, #tpu.memory_space<semaphore_mem>>, %arg18: memref<!tpu.dma_semaphore, #tpu.memory_space<semaphore_mem>>, %arg19: memref<!tpu.dma_semaphore, #tpu.memory_space<semaphore_mem>>, %arg20: memref<!tpu.dma_semaphore, #tpu.memory_space<semaphore_mem>>, %arg21: memref<!tpu.dma_semaphore, #tpu.memory_space<semaphore_mem>>, %arg22: memref<!tpu.dma_semaphore, #tpu.memory_space<semaphore_mem>>, %arg23: memref<!tpu.dma_semaphore, #tpu.memory_space<semaphore_mem>>, %arg24: memref<!tpu.dma_semaphore, #tpu.memory_space<semaphore_mem>>, %arg25: memref<!tpu.dma_semaphore, #tpu.memory_space<semaphore_mem>>, %arg26: memref<!tpu.dma_semaphore, #tpu.memory_space<semaphore_mem>>, %arg27: memref<!tpu.dma_semaphore, #tpu.memory_space<semaphore_mem>>) attributes {dimension_semantics = [#tpu.dimension_semantics<core_parallel>, #tpu.dimension_semantics<subcore_parallel>], iteration_bounds = array<i64: 2, 16>, scalar_prefetch = 0 : i64, scratch_operands = 22 : i64, tpu.core_type = #tpu.core_type<sc_vector_subcore>, window_params = [{transform_indices = #map}, {transform_indices = #map1}, {transform_indices = #map1}, {transform_indices = #map}]} {
    %mul3A = arith.constant 2 : i32
    %mul3A_0 = arith.muli %arg1, %mul3A : i32
    %add3A = arith.addi %mul3A_0, %arg0 : i32
    %mul3A_1 = arith.constant 632 : i32
    %mul3A_2 = arith.muli %arg1, %mul3A_1 : i32
    "tpu.region"() ({
      %run_scoped3A = tpu.sem_alloc : memref<!tpu.dma_semaphore, #tpu.memory_space<semaphore_mem>>
      %dma_start3A_110 = arith.constant 0 : i32
      %dma_start3A_111 = tpu.memref_slice %arg4[%mul3A_2, %dma_start3A_110] : memref<10112x32xf32, #tpu.memory_space<hbm>> -> memref<632x32xf32, #tpu.memory_space<hbm>>
      %dma_start3A_112 = arith.constant 0 : i32
      %dma_start3A_113 = tpu.memref_slice %arg4[%mul3A_2, %dma_start3A_112] : memref<10112x32xf32, #tpu.memory_space<hbm>> -> memref<632x32xf32, #tpu.memory_space<hbm>>
      tpu.enqueue_dma source(%dma_start3A_113 : memref<632x32xf32, #tpu.memory_space<hbm>>) target(%arg13 : memref<632x32xf32, #tpu.memory_space<vmem>>) target_semaphore(%run_scoped3A : memref<!tpu.dma_semaphore, #tpu.memory_space<semaphore_mem>>)
      %dma_wait3A_114 = arith.constant 0 : i32
      %dma_wait3A_115 = tpu.memref_slice %arg4[%mul3A_2, %dma_wait3A_114] : memref<10112x32xf32, #tpu.memory_space<hbm>> -> memref<632x32xf32, #tpu.memory_space<hbm>>
      %dma_wait3A_116 = arith.constant 0 : i32
      %dma_wait3A_117 = tpu.memref_slice %arg4[%mul3A_2, %dma_wait3A_116] : memref<10112x32xf32, #tpu.memory_space<hbm>> -> memref<632x32xf32, #tpu.memory_space<hbm>>
      tpu.wait_dma2 semaphore(%run_scoped3A : memref<!tpu.dma_semaphore, #tpu.memory_space<semaphore_mem>>) src(%dma_wait3A_117 : memref<632x32xf32, #tpu.memory_space<hbm>>) dst(%arg13 : memref<632x32xf32, #tpu.memory_space<vmem>>)
      tpu.yield
    }) : () -> ()
    "tpu.region"() ({
      %run_scoped3A = tpu.sem_alloc : memref<!tpu.dma_semaphore, #tpu.memory_space<semaphore_mem>>
      %dma_start3A_110 = arith.constant 0 : i32
      %dma_start3A_111 = tpu.memref_slice %arg15[%mul3A_2, %dma_start3A_110] : memref<10112x32xf32, #tpu.memory_space<vmem_shared>> -> memref<632x32xf32, #tpu.memory_space<vmem_shared>>
      %dma_start3A_112 = arith.constant 0 : i32
      %dma_start3A_113 = tpu.memref_slice %arg15[%mul3A_2, %dma_start3A_112] : memref<10112x32xf32, #tpu.memory_space<vmem_shared>> -> memref<632x32xf32, #tpu.memory_space<vmem_shared>>
      tpu.enqueue_dma source(%arg13 : memref<632x32xf32, #tpu.memory_space<vmem>>) target(%dma_start3A_113 : memref<632x32xf32, #tpu.memory_space<vmem_shared>>) target_semaphore(%run_scoped3A : memref<!tpu.dma_semaphore, #tpu.memory_space<semaphore_mem>>)
      %dma_wait3A_114 = arith.constant 0 : i32
      %dma_wait3A_115 = tpu.memref_slice %arg15[%mul3A_2, %dma_wait3A_114] : memref<10112x32xf32, #tpu.memory_space<vmem_shared>> -> memref<632x32xf32, #tpu.memory_space<vmem_shared>>
      %dma_wait3A_116 = arith.constant 0 : i32
      %dma_wait3A_117 = tpu.memref_slice %arg15[%mul3A_2, %dma_wait3A_116] : memref<10112x32xf32, #tpu.memory_space<vmem_shared>> -> memref<632x32xf32, #tpu.memory_space<vmem_shared>>
      tpu.wait_dma2 semaphore(%run_scoped3A : memref<!tpu.dma_semaphore, #tpu.memory_space<semaphore_mem>>) src(%arg13 : memref<632x32xf32, #tpu.memory_space<vmem>>) dst(%dma_wait3A_117 : memref<632x32xf32, #tpu.memory_space<vmem_shared>>)
      tpu.yield
    }) : () -> ()
    "tpu.region"() ({
      %run_scoped3A = tpu.sem_alloc : memref<!tpu.dma_semaphore, #tpu.memory_space<semaphore_mem>>
      %dma_start3A_110 = arith.constant 0 : i32
      %dma_start3A_111 = tpu.memref_slice %arg3[%mul3A_2, %dma_start3A_110] : memref<10112x32xf32, #tpu.memory_space<hbm>> -> memref<632x32xf32, #tpu.memory_space<hbm>>
      %dma_start3A_112 = arith.constant 0 : i32
      %dma_start3A_113 = tpu.memref_slice %arg3[%mul3A_2, %dma_start3A_112] : memref<10112x32xf32, #tpu.memory_space<hbm>> -> memref<632x32xf32, #tpu.memory_space<hbm>>
      tpu.enqueue_dma source(%dma_start3A_113 : memref<632x32xf32, #tpu.memory_space<hbm>>) target(%arg13 : memref<632x32xf32, #tpu.memory_space<vmem>>) target_semaphore(%run_scoped3A : memref<!tpu.dma_semaphore, #tpu.memory_space<semaphore_mem>>)
      %dma_wait3A_114 = arith.constant 0 : i32
      %dma_wait3A_115 = tpu.memref_slice %arg3[%mul3A_2, %dma_wait3A_114] : memref<10112x32xf32, #tpu.memory_space<hbm>> -> memref<632x32xf32, #tpu.memory_space<hbm>>
      %dma_wait3A_116 = arith.constant 0 : i32
      %dma_wait3A_117 = tpu.memref_slice %arg3[%mul3A_2, %dma_wait3A_116] : memref<10112x32xf32, #tpu.memory_space<hbm>> -> memref<632x32xf32, #tpu.memory_space<hbm>>
      tpu.wait_dma2 semaphore(%run_scoped3A : memref<!tpu.dma_semaphore, #tpu.memory_space<semaphore_mem>>) src(%dma_wait3A_117 : memref<632x32xf32, #tpu.memory_space<hbm>>) dst(%arg13 : memref<632x32xf32, #tpu.memory_space<vmem>>)
      tpu.yield
    }) : () -> ()
    "tpu.region"() ({
      %run_scoped3A = tpu.sem_alloc : memref<!tpu.dma_semaphore, #tpu.memory_space<semaphore_mem>>
      %dma_start3A_110 = arith.constant 0 : i32
      %dma_start3A_111 = tpu.memref_slice %arg14[%mul3A_2, %dma_start3A_110] : memref<10112x32xf32, #tpu.memory_space<vmem_shared>> -> memref<632x32xf32, #tpu.memory_space<vmem_shared>>
      %dma_start3A_112 = arith.constant 0 : i32
      %dma_start3A_113 = tpu.memref_slice %arg14[%mul3A_2, %dma_start3A_112] : memref<10112x32xf32, #tpu.memory_space<vmem_shared>> -> memref<632x32xf32, #tpu.memory_space<vmem_shared>>
      tpu.enqueue_dma source(%arg13 : memref<632x32xf32, #tpu.memory_space<vmem>>) target(%dma_start3A_113 : memref<632x32xf32, #tpu.memory_space<vmem_shared>>) target_semaphore(%run_scoped3A : memref<!tpu.dma_semaphore, #tpu.memory_space<semaphore_mem>>)
      %dma_wait3A_114 = arith.constant 0 : i32
      %dma_wait3A_115 = tpu.memref_slice %arg14[%mul3A_2, %dma_wait3A_114] : memref<10112x32xf32, #tpu.memory_space<vmem_shared>> -> memref<632x32xf32, #tpu.memory_space<vmem_shared>>
      %dma_wait3A_116 = arith.constant 0 : i32
      %dma_wait3A_117 = tpu.memref_slice %arg14[%mul3A_2, %dma_wait3A_116] : memref<10112x32xf32, #tpu.memory_space<vmem_shared>> -> memref<632x32xf32, #tpu.memory_space<vmem_shared>>
      tpu.wait_dma2 semaphore(%run_scoped3A : memref<!tpu.dma_semaphore, #tpu.memory_space<semaphore_mem>>) src(%arg13 : memref<632x32xf32, #tpu.memory_space<vmem>>) dst(%dma_wait3A_117 : memref<632x32xf32, #tpu.memory_space<vmem_shared>>)
      tpu.yield
    }) : () -> ()
    %mul3A_3 = arith.constant 78 : i32
    %mul3A_4 = arith.muli %mul3A_3, %add3A : i32
    %sub3A = arith.constant 28 : i32
    %sub3A_5 = arith.subi %add3A, %sub3A : i32
    %max3A = arith.constant 0 : i32
    %max3A_6 = arith.maxsi %sub3A_5, %max3A : i32
    %add3A_7 = arith.addi %mul3A_4, %max3A_6 : i32
    "tpu.region"() ({
      %run_scoped3A = tpu.sem_alloc : memref<!tpu.dma_semaphore, #tpu.memory_space<semaphore_mem>>
      %dma_start3A_110 = arith.constant 0 : i32
      %dma_start3A_111 = arith.constant 0 : i32
      %dma_start3A_112 = tpu.memref_slice %arg2[%add3A_7, %dma_start3A_110, %dma_start3A_111] : memref<2500x2x128xi32, #tpu.memory_space<hbm>> -> memref<79x2x128xi32, #tpu.memory_space<hbm>>
      %dma_start3A_113 = arith.constant 0 : i32
      %dma_start3A_114 = arith.constant 0 : i32
      %dma_start3A_115 = tpu.memref_slice %arg2[%add3A_7, %dma_start3A_113, %dma_start3A_114] : memref<2500x2x128xi32, #tpu.memory_space<hbm>> -> memref<79x2x128xi32, #tpu.memory_space<hbm>>
      tpu.enqueue_dma source(%dma_start3A_115 : memref<79x2x128xi32, #tpu.memory_space<hbm>>) target(%arg6 : memref<79x2x128xi32, #tpu.memory_space<vmem>>) target_semaphore(%run_scoped3A : memref<!tpu.dma_semaphore, #tpu.memory_space<semaphore_mem>>)
      %dma_wait3A_116 = arith.constant 0 : i32
      %dma_wait3A_117 = arith.constant 0 : i32
      %dma_wait3A_118 = tpu.memref_slice %arg2[%add3A_7, %dma_wait3A_116, %dma_wait3A_117] : memref<2500x2x128xi32, #tpu.memory_space<hbm>> -> memref<79x2x128xi32, #tpu.memory_space<hbm>>
      %dma_wait3A_119 = arith.constant 0 : i32
      %dma_wait3A_120 = arith.constant 0 : i32
      %dma_wait3A_121 = tpu.memref_slice %arg2[%add3A_7, %dma_wait3A_119, %dma_wait3A_120] : memref<2500x2x128xi32, #tpu.memory_space<hbm>> -> memref<79x2x128xi32, #tpu.memory_space<hbm>>
      tpu.wait_dma2 semaphore(%run_scoped3A : memref<!tpu.dma_semaphore, #tpu.memory_space<semaphore_mem>>) src(%dma_wait3A_121 : memref<79x2x128xi32, #tpu.memory_space<hbm>>) dst(%arg6 : memref<79x2x128xi32, #tpu.memory_space<vmem>>)
      tpu.yield
    }) : () -> ()
    %barrier3A = arith.constant 0 : index
    tpu.barrier barrier_id(%barrier3A)
    %dma_start3A = arith.constant 0 : i32
    %dma_start3A_8 = arith.constant 0 : i32
    %dma_start3A_9 = arith.constant 0 : i32
    %dma_start3A_10 = tpu.memref_slice %arg6[%dma_start3A, %dma_start3A_8, %dma_start3A_9] : memref<79x2x128xi32, #tpu.memory_space<vmem>> -> memref<1x1x128xi32, #tpu.memory_space<vmem>>
    %dma_start3A_11 = tpu.memref_squeeze %dma_start3A_10 : memref<1x1x128xi32, #tpu.memory_space<vmem>> -> memref<128xi32, #tpu.memory_space<vmem>>
    %dma_start3A_12 = arith.constant 0 : i32
    %dma_start3A_13 = arith.constant 0 : i32
    %dma_start3A_14 = tpu.memref_slice %arg14[%dma_start3A_12, %dma_start3A_13] : memref<10112x32xf32, #tpu.memory_space<vmem_shared>> -> memref<10112x32xf32, #tpu.memory_space<vmem_shared>>
    tpu.enqueue_indirect_dma source(%dma_start3A_14 : memref<10112x32xf32, #tpu.memory_space<vmem_shared>>) target(%arg7 : memref<128x32xf32, #tpu.memory_space<vmem>>) offsets(%dma_start3A_11 : memref<128xi32, #tpu.memory_space<vmem>>) semaphore(%arg16 : memref<!tpu.dma_semaphore, #tpu.memory_space<semaphore_mem>>)
    %dma_start3A_15 = arith.constant 1 : i32
    %dma_start3A_16 = arith.constant 0 : i32
    %dma_start3A_17 = arith.constant 0 : i32
    %dma_start3A_18 = tpu.memref_slice %arg6[%dma_start3A_15, %dma_start3A_16, %dma_start3A_17] : memref<79x2x128xi32, #tpu.memory_space<vmem>> -> memref<1x1x128xi32, #tpu.memory_space<vmem>>
    %dma_start3A_19 = tpu.memref_squeeze %dma_start3A_18 : memref<1x1x128xi32, #tpu.memory_space<vmem>> -> memref<128xi32, #tpu.memory_space<vmem>>
    %dma_start3A_20 = arith.constant 0 : i32
    %dma_start3A_21 = arith.constant 0 : i32
    %dma_start3A_22 = tpu.memref_slice %arg14[%dma_start3A_20, %dma_start3A_21] : memref<10112x32xf32, #tpu.memory_space<vmem_shared>> -> memref<10112x32xf32, #tpu.memory_space<vmem_shared>>
    tpu.enqueue_indirect_dma source(%dma_start3A_22 : memref<10112x32xf32, #tpu.memory_space<vmem_shared>>) target(%arg8 : memref<128x32xf32, #tpu.memory_space<vmem>>) offsets(%dma_start3A_19 : memref<128xi32, #tpu.memory_space<vmem>>) semaphore(%arg17 : memref<!tpu.dma_semaphore, #tpu.memory_space<semaphore_mem>>)
    %dma_start3A_23 = arith.constant 2 : i32
    %dma_start3A_24 = arith.constant 0 : i32
    %dma_start3A_25 = arith.constant 0 : i32
    %dma_start3A_26 = tpu.memref_slice %arg6[%dma_start3A_23, %dma_start3A_24, %dma_start3A_25] : memref<79x2x128xi32, #tpu.memory_space<vmem>> -> memref<1x1x128xi32, #tpu.memory_space<vmem>>
    %dma_start3A_27 = tpu.memref_squeeze %dma_start3A_26 : memref<1x1x128xi32, #tpu.memory_space<vmem>> -> memref<128xi32, #tpu.memory_space<vmem>>
    %dma_start3A_28 = arith.constant 0 : i32
    %dma_start3A_29 = arith.constant 0 : i32
    %dma_start3A_30 = tpu.memref_slice %arg14[%dma_start3A_28, %dma_start3A_29] : memref<10112x32xf32, #tpu.memory_space<vmem_shared>> -> memref<10112x32xf32, #tpu.memory_space<vmem_shared>>
    tpu.enqueue_indirect_dma source(%dma_start3A_30 : memref<10112x32xf32, #tpu.memory_space<vmem_shared>>) target(%arg9 : memref<128x32xf32, #tpu.memory_space<vmem>>) offsets(%dma_start3A_27 : memref<128xi32, #tpu.memory_space<vmem>>) semaphore(%arg18 : memref<!tpu.dma_semaphore, #tpu.memory_space<semaphore_mem>>)
    %dma_start3A_31 = arith.constant 3 : i32
    %dma_start3A_32 = arith.constant 0 : i32
    %dma_start3A_33 = arith.constant 0 : i32
    %dma_start3A_34 = tpu.memref_slice %arg6[%dma_start3A_31, %dma_start3A_32, %dma_start3A_33] : memref<79x2x128xi32, #tpu.memory_space<vmem>> -> memref<1x1x128xi32, #tpu.memory_space<vmem>>
    %dma_start3A_35 = tpu.memref_squeeze %dma_start3A_34 : memref<1x1x128xi32, #tpu.memory_space<vmem>> -> memref<128xi32, #tpu.memory_space<vmem>>
    %dma_start3A_36 = arith.constant 0 : i32
    %dma_start3A_37 = arith.constant 0 : i32
    %dma_start3A_38 = tpu.memref_slice %arg14[%dma_start3A_36, %dma_start3A_37] : memref<10112x32xf32, #tpu.memory_space<vmem_shared>> -> memref<10112x32xf32, #tpu.memory_space<vmem_shared>>
    tpu.enqueue_indirect_dma source(%dma_start3A_38 : memref<10112x32xf32, #tpu.memory_space<vmem_shared>>) target(%arg10 : memref<128x32xf32, #tpu.memory_space<vmem>>) offsets(%dma_start3A_35 : memref<128xi32, #tpu.memory_space<vmem>>) semaphore(%arg19 : memref<!tpu.dma_semaphore, #tpu.memory_space<semaphore_mem>>)
    %dma_start3A_39 = arith.constant 4 : i32
    %dma_start3A_40 = arith.constant 0 : i32
    %dma_start3A_41 = arith.constant 0 : i32
    %dma_start3A_42 = tpu.memref_slice %arg6[%dma_start3A_39, %dma_start3A_40, %dma_start3A_41] : memref<79x2x128xi32, #tpu.memory_space<vmem>> -> memref<1x1x128xi32, #tpu.memory_space<vmem>>
    %dma_start3A_43 = tpu.memref_squeeze %dma_start3A_42 : memref<1x1x128xi32, #tpu.memory_space<vmem>> -> memref<128xi32, #tpu.memory_space<vmem>>
    %dma_start3A_44 = arith.constant 0 : i32
    %dma_start3A_45 = arith.constant 0 : i32
    %dma_start3A_46 = tpu.memref_slice %arg14[%dma_start3A_44, %dma_start3A_45] : memref<10112x32xf32, #tpu.memory_space<vmem_shared>> -> memref<10112x32xf32, #tpu.memory_space<vmem_shared>>
    tpu.enqueue_indirect_dma source(%dma_start3A_46 : memref<10112x32xf32, #tpu.memory_space<vmem_shared>>) target(%arg11 : memref<128x32xf32, #tpu.memory_space<vmem>>) offsets(%dma_start3A_43 : memref<128xi32, #tpu.memory_space<vmem>>) semaphore(%arg20 : memref<!tpu.dma_semaphore, #tpu.memory_space<semaphore_mem>>)
    %dma_start3A_47 = arith.constant 5 : i32
    %dma_start3A_48 = arith.constant 0 : i32
    %dma_start3A_49 = arith.constant 0 : i32
    %dma_start3A_50 = tpu.memref_slice %arg6[%dma_start3A_47, %dma_start3A_48, %dma_start3A_49] : memref<79x2x128xi32, #tpu.memory_space<vmem>> -> memref<1x1x128xi32, #tpu.memory_space<vmem>>
    %dma_start3A_51 = tpu.memref_squeeze %dma_start3A_50 : memref<1x1x128xi32, #tpu.memory_space<vmem>> -> memref<128xi32, #tpu.memory_space<vmem>>
    %dma_start3A_52 = arith.constant 0 : i32
    %dma_start3A_53 = arith.constant 0 : i32
    %dma_start3A_54 = tpu.memref_slice %arg14[%dma_start3A_52, %dma_start3A_53] : memref<10112x32xf32, #tpu.memory_space<vmem_shared>> -> memref<10112x32xf32, #tpu.memory_space<vmem_shared>>
    tpu.enqueue_indirect_dma source(%dma_start3A_54 : memref<10112x32xf32, #tpu.memory_space<vmem_shared>>) target(%arg12 : memref<128x32xf32, #tpu.memory_space<vmem>>) offsets(%dma_start3A_51 : memref<128xi32, #tpu.memory_space<vmem>>) semaphore(%arg21 : memref<!tpu.dma_semaphore, #tpu.memory_space<semaphore_mem>>)
    %scan3A = arith.constant 0 : i32
    %scan3A_55 = arith.constant 0 : i32
    %scan3A_56 = arith.constant 13 : i32
    %scan3A_57 = arith.addi %scan3A_55, %scan3A_56 : i32
    %scan3A_58 = arith.constant 1 : i32
    scf.for %scan3A_110 = %scan3A_55 to %scan3A_57 step %scan3A_58  : i32 {
      %mul3A_111 = arith.constant 6 : i32
      %mul3A_112 = arith.muli %scan3A_110, %mul3A_111 : i32
      %add3A_113 = arith.constant 0 : i32
      %add3A_114 = arith.addi %mul3A_112, %add3A_113 : i32
      %dma_wait3A_115 = arith.constant 0 : i32
      %dma_wait3A_116 = arith.constant 0 : i32
      %dma_wait3A_117 = tpu.memref_slice %arg6[%add3A_114, %dma_wait3A_115, %dma_wait3A_116] : memref<79x2x128xi32, #tpu.memory_space<vmem>> -> memref<1x1x128xi32, #tpu.memory_space<vmem>>
      %dma_wait3A_118 = tpu.memref_squeeze %dma_wait3A_117 : memref<1x1x128xi32, #tpu.memory_space<vmem>> -> memref<128xi32, #tpu.memory_space<vmem>>
      %dma_wait3A_119 = arith.constant 0 : i32
      %dma_wait3A_120 = arith.constant 0 : i32
      %dma_wait3A_121 = tpu.memref_slice %arg14[%dma_wait3A_119, %dma_wait3A_120] : memref<10112x32xf32, #tpu.memory_space<vmem_shared>> -> memref<10112x32xf32, #tpu.memory_space<vmem_shared>>
      tpu.wait_indirect_dma semaphore(%arg16 : memref<!tpu.dma_semaphore, #tpu.memory_space<semaphore_mem>>) src(%dma_wait3A_121 : memref<10112x32xf32, #tpu.memory_space<vmem_shared>>) dst(%arg7 : memref<128x32xf32, #tpu.memory_space<vmem>>)
      %dma_start3A_122 = arith.constant 1 : i32
      %dma_start3A_123 = arith.constant 0 : i32
      %dma_start3A_124 = tpu.memref_slice %arg6[%add3A_114, %dma_start3A_122, %dma_start3A_123] : memref<79x2x128xi32, #tpu.memory_space<vmem>> -> memref<1x1x128xi32, #tpu.memory_space<vmem>>
      %dma_start3A_125 = tpu.memref_squeeze %dma_start3A_124 : memref<1x1x128xi32, #tpu.memory_space<vmem>> -> memref<128xi32, #tpu.memory_space<vmem>>
      %dma_start3A_126 = arith.constant 0 : i32
      %dma_start3A_127 = arith.constant 0 : i32
      %dma_start3A_128 = tpu.memref_slice %arg15[%dma_start3A_126, %dma_start3A_127] : memref<10112x32xf32, #tpu.memory_space<vmem_shared>> -> memref<10112x32xf32, #tpu.memory_space<vmem_shared>>
      tpu.enqueue_indirect_dma source(%arg7 : memref<128x32xf32, #tpu.memory_space<vmem>>) target(%dma_start3A_128 : memref<10112x32xf32, #tpu.memory_space<vmem_shared>>) offsets(%dma_start3A_125 : memref<128xi32, #tpu.memory_space<vmem>>) semaphore(%arg22 : memref<!tpu.dma_semaphore, #tpu.memory_space<semaphore_mem>>) {add = true}
      %sub3A_129 = arith.constant 1 : i32
      %sub3A_130 = arith.subi %add3A_114, %sub3A_129 : i32
      %ge3A_131 = arith.constant 0 : i32
      %ge3A_132 = arith.cmpi sge, %sub3A_130, %ge3A_131 : i32
      %add3A_133 = arith.constant 6 : i32
      %add3A_134 = arith.addi %sub3A_130, %add3A_133 : i32
      %lt3A = arith.constant 78 : i32
      %lt3A_135 = arith.cmpi slt, %add3A_134, %lt3A : i32
      %and3A = arith.andi %ge3A_132, %lt3A_135 : i1
      %convert_element_type3A_136 = arith.extui %and3A : i1 to i32
      %cond3A_137 = arith.constant 0 : i32
      %cond3A_138 = arith.cmpi ne, %convert_element_type3A_136, %cond3A_137 : i32
      scf.if %cond3A_138 {
        %dma_wait3A_289 = arith.constant 0 : i32
        %dma_wait3A_290 = arith.constant 1 : i32
        %dma_wait3A_291 = arith.constant 0 : i32
        %dma_wait3A_292 = tpu.memref_slice %arg6[%dma_wait3A_289, %dma_wait3A_290, %dma_wait3A_291] : memref<79x2x128xi32, #tpu.memory_space<vmem>> -> memref<1x1x128xi32, #tpu.memory_space<vmem>>
        %dma_wait3A_293 = tpu.memref_squeeze %dma_wait3A_292 : memref<1x1x128xi32, #tpu.memory_space<vmem>> -> memref<128xi32, #tpu.memory_space<vmem>>
        %dma_wait3A_294 = arith.constant 0 : i32
        %dma_wait3A_295 = arith.constant 0 : i32
        %dma_wait3A_296 = tpu.memref_slice %arg15[%dma_wait3A_294, %dma_wait3A_295] : memref<10112x32xf32, #tpu.memory_space<vmem_shared>> -> memref<10112x32xf32, #tpu.memory_space<vmem_shared>>
        tpu.wait_indirect_dma semaphore(%arg27 : memref<!tpu.dma_semaphore, #tpu.memory_space<semaphore_mem>>) src(%arg12 : memref<128x32xf32, #tpu.memory_space<vmem>>) dst(%dma_wait3A_296 : memref<10112x32xf32, #tpu.memory_space<vmem_shared>>)
        %add3A_297 = arith.constant 6 : i32
        %add3A_298 = arith.addi %sub3A_130, %add3A_297 : i32
        %dma_start3A_299 = arith.constant 0 : i32
        %dma_start3A_300 = arith.constant 0 : i32
        %dma_start3A_301 = tpu.memref_slice %arg6[%add3A_298, %dma_start3A_299, %dma_start3A_300] : memref<79x2x128xi32, #tpu.memory_space<vmem>> -> memref<1x1x128xi32, #tpu.memory_space<vmem>>
        %dma_start3A_302 = tpu.memref_squeeze %dma_start3A_301 : memref<1x1x128xi32, #tpu.memory_space<vmem>> -> memref<128xi32, #tpu.memory_space<vmem>>
        %dma_start3A_303 = arith.constant 0 : i32
        %dma_start3A_304 = arith.constant 0 : i32
        %dma_start3A_305 = tpu.memref_slice %arg14[%dma_start3A_303, %dma_start3A_304] : memref<10112x32xf32, #tpu.memory_space<vmem_shared>> -> memref<10112x32xf32, #tpu.memory_space<vmem_shared>>
        tpu.enqueue_indirect_dma source(%dma_start3A_305 : memref<10112x32xf32, #tpu.memory_space<vmem_shared>>) target(%arg12 : memref<128x32xf32, #tpu.memory_space<vmem>>) offsets(%dma_start3A_302 : memref<128xi32, #tpu.memory_space<vmem>>) semaphore(%arg21 : memref<!tpu.dma_semaphore, #tpu.memory_space<semaphore_mem>>)
      } else {
      }
      %mul3A_139 = arith.constant 6 : i32
      %mul3A_140 = arith.muli %scan3A_110, %mul3A_139 : i32
      %add3A_141 = arith.constant 1 : i32
      %add3A_142 = arith.addi %mul3A_140, %add3A_141 : i32
      %dma_wait3A_143 = arith.constant 0 : i32
      %dma_wait3A_144 = arith.constant 0 : i32
      %dma_wait3A_145 = tpu.memref_slice %arg6[%add3A_142, %dma_wait3A_143, %dma_wait3A_144] : memref<79x2x128xi32, #tpu.memory_space<vmem>> -> memref<1x1x128xi32, #tpu.memory_space<vmem>>
      %dma_wait3A_146 = tpu.memref_squeeze %dma_wait3A_145 : memref<1x1x128xi32, #tpu.memory_space<vmem>> -> memref<128xi32, #tpu.memory_space<vmem>>
      %dma_wait3A_147 = arith.constant 0 : i32
      %dma_wait3A_148 = arith.constant 0 : i32
      %dma_wait3A_149 = tpu.memref_slice %arg14[%dma_wait3A_147, %dma_wait3A_148] : memref<10112x32xf32, #tpu.memory_space<vmem_shared>> -> memref<10112x32xf32, #tpu.memory_space<vmem_shared>>
      tpu.wait_indirect_dma semaphore(%arg17 : memref<!tpu.dma_semaphore, #tpu.memory_space<semaphore_mem>>) src(%dma_wait3A_149 : memref<10112x32xf32, #tpu.memory_space<vmem_shared>>) dst(%arg8 : memref<128x32xf32, #tpu.memory_space<vmem>>)
      %dma_start3A_150 = arith.constant 1 : i32
      %dma_start3A_151 = arith.constant 0 : i32
      %dma_start3A_152 = tpu.memref_slice %arg6[%add3A_142, %dma_start3A_150, %dma_start3A_151] : memref<79x2x128xi32, #tpu.memory_space<vmem>> -> memref<1x1x128xi32, #tpu.memory_space<vmem>>
      %dma_start3A_153 = tpu.memref_squeeze %dma_start3A_152 : memref<1x1x128xi32, #tpu.memory_space<vmem>> -> memref<128xi32, #tpu.memory_space<vmem>>
      %dma_start3A_154 = arith.constant 0 : i32
      %dma_start3A_155 = arith.constant 0 : i32
      %dma_start3A_156 = tpu.memref_slice %arg15[%dma_start3A_154, %dma_start3A_155] : memref<10112x32xf32, #tpu.memory_space<vmem_shared>> -> memref<10112x32xf32, #tpu.memory_space<vmem_shared>>
      tpu.enqueue_indirect_dma source(%arg8 : memref<128x32xf32, #tpu.memory_space<vmem>>) target(%dma_start3A_156 : memref<10112x32xf32, #tpu.memory_space<vmem_shared>>) offsets(%dma_start3A_153 : memref<128xi32, #tpu.memory_space<vmem>>) semaphore(%arg23 : memref<!tpu.dma_semaphore, #tpu.memory_space<semaphore_mem>>) {add = true}
      %sub3A_157 = arith.constant 1 : i32
      %sub3A_158 = arith.subi %add3A_142, %sub3A_157 : i32
      %ge3A_159 = arith.constant 0 : i32
      %ge3A_160 = arith.cmpi sge, %sub3A_158, %ge3A_159 : i32
      %add3A_161 = arith.constant 6 : i32
      %add3A_162 = arith.addi %sub3A_158, %add3A_161 : i32
      %lt3A_163 = arith.constant 78 : i32
      %lt3A_164 = arith.cmpi slt, %add3A_162, %lt3A_163 : i32
      %and3A_165 = arith.andi %ge3A_160, %lt3A_164 : i1
      %convert_element_type3A_166 = arith.extui %and3A_165 : i1 to i32
      %cond3A_167 = arith.constant 0 : i32
      %cond3A_168 = arith.cmpi ne, %convert_element_type3A_166, %cond3A_167 : i32
      scf.if %cond3A_168 {
        %dma_wait3A_289 = arith.constant 0 : i32
        %dma_wait3A_290 = arith.constant 1 : i32
        %dma_wait3A_291 = arith.constant 0 : i32
        %dma_wait3A_292 = tpu.memref_slice %arg6[%dma_wait3A_289, %dma_wait3A_290, %dma_wait3A_291] : memref<79x2x128xi32, #tpu.memory_space<vmem>> -> memref<1x1x128xi32, #tpu.memory_space<vmem>>
        %dma_wait3A_293 = tpu.memref_squeeze %dma_wait3A_292 : memref<1x1x128xi32, #tpu.memory_space<vmem>> -> memref<128xi32, #tpu.memory_space<vmem>>
        %dma_wait3A_294 = arith.constant 0 : i32
        %dma_wait3A_295 = arith.constant 0 : i32
        %dma_wait3A_296 = tpu.memref_slice %arg15[%dma_wait3A_294, %dma_wait3A_295] : memref<10112x32xf32, #tpu.memory_space<vmem_shared>> -> memref<10112x32xf32, #tpu.memory_space<vmem_shared>>
        tpu.wait_indirect_dma semaphore(%arg22 : memref<!tpu.dma_semaphore, #tpu.memory_space<semaphore_mem>>) src(%arg7 : memref<128x32xf32, #tpu.memory_space<vmem>>) dst(%dma_wait3A_296 : memref<10112x32xf32, #tpu.memory_space<vmem_shared>>)
        %add3A_297 = arith.constant 6 : i32
        %add3A_298 = arith.addi %sub3A_158, %add3A_297 : i32
        %dma_start3A_299 = arith.constant 0 : i32
        %dma_start3A_300 = arith.constant 0 : i32
        %dma_start3A_301 = tpu.memref_slice %arg6[%add3A_298, %dma_start3A_299, %dma_start3A_300] : memref<79x2x128xi32, #tpu.memory_space<vmem>> -> memref<1x1x128xi32, #tpu.memory_space<vmem>>
        %dma_start3A_302 = tpu.memref_squeeze %dma_start3A_301 : memref<1x1x128xi32, #tpu.memory_space<vmem>> -> memref<128xi32, #tpu.memory_space<vmem>>
        %dma_start3A_303 = arith.constant 0 : i32
        %dma_start3A_304 = arith.constant 0 : i32
        %dma_start3A_305 = tpu.memref_slice %arg14[%dma_start3A_303, %dma_start3A_304] : memref<10112x32xf32, #tpu.memory_space<vmem_shared>> -> memref<10112x32xf32, #tpu.memory_space<vmem_shared>>
        tpu.enqueue_indirect_dma source(%dma_start3A_305 : memref<10112x32xf32, #tpu.memory_space<vmem_shared>>) target(%arg7 : memref<128x32xf32, #tpu.memory_space<vmem>>) offsets(%dma_start3A_302 : memref<128xi32, #tpu.memory_space<vmem>>) semaphore(%arg16 : memref<!tpu.dma_semaphore, #tpu.memory_space<semaphore_mem>>)
      } else {
      }
      %mul3A_169 = arith.constant 6 : i32
      %mul3A_170 = arith.muli %scan3A_110, %mul3A_169 : i32
      %add3A_171 = arith.constant 2 : i32
      %add3A_172 = arith.addi %mul3A_170, %add3A_171 : i32
      %dma_wait3A_173 = arith.constant 0 : i32
      %dma_wait3A_174 = arith.constant 0 : i32
      %dma_wait3A_175 = tpu.memref_slice %arg6[%add3A_172, %dma_wait3A_173, %dma_wait3A_174] : memref<79x2x128xi32, #tpu.memory_space<vmem>> -> memref<1x1x128xi32, #tpu.memory_space<vmem>>
      %dma_wait3A_176 = tpu.memref_squeeze %dma_wait3A_175 : memref<1x1x128xi32, #tpu.memory_space<vmem>> -> memref<128xi32, #tpu.memory_space<vmem>>
      %dma_wait3A_177 = arith.constant 0 : i32
      %dma_wait3A_178 = arith.constant 0 : i32
      %dma_wait3A_179 = tpu.memref_slice %arg14[%dma_wait3A_177, %dma_wait3A_178] : memref<10112x32xf32, #tpu.memory_space<vmem_shared>> -> memref<10112x32xf32, #tpu.memory_space<vmem_shared>>
      tpu.wait_indirect_dma semaphore(%arg18 : memref<!tpu.dma_semaphore, #tpu.memory_space<semaphore_mem>>) src(%dma_wait3A_179 : memref<10112x32xf32, #tpu.memory_space<vmem_shared>>) dst(%arg9 : memref<128x32xf32, #tpu.memory_space<vmem>>)
      %dma_start3A_180 = arith.constant 1 : i32
      %dma_start3A_181 = arith.constant 0 : i32
      %dma_start3A_182 = tpu.memref_slice %arg6[%add3A_172, %dma_start3A_180, %dma_start3A_181] : memref<79x2x128xi32, #tpu.memory_space<vmem>> -> memref<1x1x128xi32, #tpu.memory_space<vmem>>
      %dma_start3A_183 = tpu.memref_squeeze %dma_start3A_182 : memref<1x1x128xi32, #tpu.memory_space<vmem>> -> memref<128xi32, #tpu.memory_space<vmem>>
      %dma_start3A_184 = arith.constant 0 : i32
      %dma_start3A_185 = arith.constant 0 : i32
      %dma_start3A_186 = tpu.memref_slice %arg15[%dma_start3A_184, %dma_start3A_185] : memref<10112x32xf32, #tpu.memory_space<vmem_shared>> -> memref<10112x32xf32, #tpu.memory_space<vmem_shared>>
      tpu.enqueue_indirect_dma source(%arg9 : memref<128x32xf32, #tpu.memory_space<vmem>>) target(%dma_start3A_186 : memref<10112x32xf32, #tpu.memory_space<vmem_shared>>) offsets(%dma_start3A_183 : memref<128xi32, #tpu.memory_space<vmem>>) semaphore(%arg24 : memref<!tpu.dma_semaphore, #tpu.memory_space<semaphore_mem>>) {add = true}
      %sub3A_187 = arith.constant 1 : i32
      %sub3A_188 = arith.subi %add3A_172, %sub3A_187 : i32
      %ge3A_189 = arith.constant 0 : i32
      %ge3A_190 = arith.cmpi sge, %sub3A_188, %ge3A_189 : i32
      %add3A_191 = arith.constant 6 : i32
      %add3A_192 = arith.addi %sub3A_188, %add3A_191 : i32
      %lt3A_193 = arith.constant 78 : i32
      %lt3A_194 = arith.cmpi slt, %add3A_192, %lt3A_193 : i32
      %and3A_195 = arith.andi %ge3A_190, %lt3A_194 : i1
      %convert_element_type3A_196 = arith.extui %and3A_195 : i1 to i32
      %cond3A_197 = arith.constant 0 : i32
      %cond3A_198 = arith.cmpi ne, %convert_element_type3A_196, %cond3A_197 : i32
      scf.if %cond3A_198 {
        %dma_wait3A_289 = arith.constant 0 : i32
        %dma_wait3A_290 = arith.constant 1 : i32
        %dma_wait3A_291 = arith.constant 0 : i32
        %dma_wait3A_292 = tpu.memref_slice %arg6[%dma_wait3A_289, %dma_wait3A_290, %dma_wait3A_291] : memref<79x2x128xi32, #tpu.memory_space<vmem>> -> memref<1x1x128xi32, #tpu.memory_space<vmem>>
        %dma_wait3A_293 = tpu.memref_squeeze %dma_wait3A_292 : memref<1x1x128xi32, #tpu.memory_space<vmem>> -> memref<128xi32, #tpu.memory_space<vmem>>
        %dma_wait3A_294 = arith.constant 0 : i32
        %dma_wait3A_295 = arith.constant 0 : i32
        %dma_wait3A_296 = tpu.memref_slice %arg15[%dma_wait3A_294, %dma_wait3A_295] : memref<10112x32xf32, #tpu.memory_space<vmem_shared>> -> memref<10112x32xf32, #tpu.memory_space<vmem_shared>>
        tpu.wait_indirect_dma semaphore(%arg23 : memref<!tpu.dma_semaphore, #tpu.memory_space<semaphore_mem>>) src(%arg8 : memref<128x32xf32, #tpu.memory_space<vmem>>) dst(%dma_wait3A_296 : memref<10112x32xf32, #tpu.memory_space<vmem_shared>>)
        %add3A_297 = arith.constant 6 : i32
        %add3A_298 = arith.addi %sub3A_188, %add3A_297 : i32
        %dma_start3A_299 = arith.constant 0 : i32
        %dma_start3A_300 = arith.constant 0 : i32
        %dma_start3A_301 = tpu.memref_slice %arg6[%add3A_298, %dma_start3A_299, %dma_start3A_300] : memref<79x2x128xi32, #tpu.memory_space<vmem>> -> memref<1x1x128xi32, #tpu.memory_space<vmem>>
        %dma_start3A_302 = tpu.memref_squeeze %dma_start3A_301 : memref<1x1x128xi32, #tpu.memory_space<vmem>> -> memref<128xi32, #tpu.memory_space<vmem>>
        %dma_start3A_303 = arith.constant 0 : i32
        %dma_start3A_304 = arith.constant 0 : i32
        %dma_start3A_305 = tpu.memref_slice %arg14[%dma_start3A_303, %dma_start3A_304] : memref<10112x32xf32, #tpu.memory_space<vmem_shared>> -> memref<10112x32xf32, #tpu.memory_space<vmem_shared>>
        tpu.enqueue_indirect_dma source(%dma_start3A_305 : memref<10112x32xf32, #tpu.memory_space<vmem_shared>>) target(%arg8 : memref<128x32xf32, #tpu.memory_space<vmem>>) offsets(%dma_start3A_302 : memref<128xi32, #tpu.memory_space<vmem>>) semaphore(%arg17 : memref<!tpu.dma_semaphore, #tpu.memory_space<semaphore_mem>>)
      } else {
      }
      %mul3A_199 = arith.constant 6 : i32
      %mul3A_200 = arith.muli %scan3A_110, %mul3A_199 : i32
      %add3A_201 = arith.constant 3 : i32
      %add3A_202 = arith.addi %mul3A_200, %add3A_201 : i32
      %dma_wait3A_203 = arith.constant 0 : i32
      %dma_wait3A_204 = arith.constant 0 : i32
      %dma_wait3A_205 = tpu.memref_slice %arg6[%add3A_202, %dma_wait3A_203, %dma_wait3A_204] : memref<79x2x128xi32, #tpu.memory_space<vmem>> -> memref<1x1x128xi32, #tpu.memory_space<vmem>>
      %dma_wait3A_206 = tpu.memref_squeeze %dma_wait3A_205 : memref<1x1x128xi32, #tpu.memory_space<vmem>> -> memref<128xi32, #tpu.memory_space<vmem>>
      %dma_wait3A_207 = arith.constant 0 : i32
      %dma_wait3A_208 = arith.constant 0 : i32
      %dma_wait3A_209 = tpu.memref_slice %arg14[%dma_wait3A_207, %dma_wait3A_208] : memref<10112x32xf32, #tpu.memory_space<vmem_shared>> -> memref<10112x32xf32, #tpu.memory_space<vmem_shared>>
      tpu.wait_indirect_dma semaphore(%arg19 : memref<!tpu.dma_semaphore, #tpu.memory_space<semaphore_mem>>) src(%dma_wait3A_209 : memref<10112x32xf32, #tpu.memory_space<vmem_shared>>) dst(%arg10 : memref<128x32xf32, #tpu.memory_space<vmem>>)
      %dma_start3A_210 = arith.constant 1 : i32
      %dma_start3A_211 = arith.constant 0 : i32
      %dma_start3A_212 = tpu.memref_slice %arg6[%add3A_202, %dma_start3A_210, %dma_start3A_211] : memref<79x2x128xi32, #tpu.memory_space<vmem>> -> memref<1x1x128xi32, #tpu.memory_space<vmem>>
      %dma_start3A_213 = tpu.memref_squeeze %dma_start3A_212 : memref<1x1x128xi32, #tpu.memory_space<vmem>> -> memref<128xi32, #tpu.memory_space<vmem>>
      %dma_start3A_214 = arith.constant 0 : i32
      %dma_start3A_215 = arith.constant 0 : i32
      %dma_start3A_216 = tpu.memref_slice %arg15[%dma_start3A_214, %dma_start3A_215] : memref<10112x32xf32, #tpu.memory_space<vmem_shared>> -> memref<10112x32xf32, #tpu.memory_space<vmem_shared>>
      tpu.enqueue_indirect_dma source(%arg10 : memref<128x32xf32, #tpu.memory_space<vmem>>) target(%dma_start3A_216 : memref<10112x32xf32, #tpu.memory_space<vmem_shared>>) offsets(%dma_start3A_213 : memref<128xi32, #tpu.memory_space<vmem>>) semaphore(%arg25 : memref<!tpu.dma_semaphore, #tpu.memory_space<semaphore_mem>>) {add = true}
      %sub3A_217 = arith.constant 1 : i32
      %sub3A_218 = arith.subi %add3A_202, %sub3A_217 : i32
      %ge3A_219 = arith.constant 0 : i32
      %ge3A_220 = arith.cmpi sge, %sub3A_218, %ge3A_219 : i32
      %add3A_221 = arith.constant 6 : i32
      %add3A_222 = arith.addi %sub3A_218, %add3A_221 : i32
      %lt3A_223 = arith.constant 78 : i32
      %lt3A_224 = arith.cmpi slt, %add3A_222, %lt3A_223 : i32
      %and3A_225 = arith.andi %ge3A_220, %lt3A_224 : i1
      %convert_element_type3A_226 = arith.extui %and3A_225 : i1 to i32
      %cond3A_227 = arith.constant 0 : i32
      %cond3A_228 = arith.cmpi ne, %convert_element_type3A_226, %cond3A_227 : i32
      scf.if %cond3A_228 {
        %dma_wait3A_289 = arith.constant 0 : i32
        %dma_wait3A_290 = arith.constant 1 : i32
        %dma_wait3A_291 = arith.constant 0 : i32
        %dma_wait3A_292 = tpu.memref_slice %arg6[%dma_wait3A_289, %dma_wait3A_290, %dma_wait3A_291] : memref<79x2x128xi32, #tpu.memory_space<vmem>> -> memref<1x1x128xi32, #tpu.memory_space<vmem>>
        %dma_wait3A_293 = tpu.memref_squeeze %dma_wait3A_292 : memref<1x1x128xi32, #tpu.memory_space<vmem>> -> memref<128xi32, #tpu.memory_space<vmem>>
        %dma_wait3A_294 = arith.constant 0 : i32
        %dma_wait3A_295 = arith.constant 0 : i32
        %dma_wait3A_296 = tpu.memref_slice %arg15[%dma_wait3A_294, %dma_wait3A_295] : memref<10112x32xf32, #tpu.memory_space<vmem_shared>> -> memref<10112x32xf32, #tpu.memory_space<vmem_shared>>
        tpu.wait_indirect_dma semaphore(%arg24 : memref<!tpu.dma_semaphore, #tpu.memory_space<semaphore_mem>>) src(%arg9 : memref<128x32xf32, #tpu.memory_space<vmem>>) dst(%dma_wait3A_296 : memref<10112x32xf32, #tpu.memory_space<vmem_shared>>)
        %add3A_297 = arith.constant 6 : i32
        %add3A_298 = arith.addi %sub3A_218, %add3A_297 : i32
        %dma_start3A_299 = arith.constant 0 : i32
        %dma_start3A_300 = arith.constant 0 : i32
        %dma_start3A_301 = tpu.memref_slice %arg6[%add3A_298, %dma_start3A_299, %dma_start3A_300] : memref<79x2x128xi32, #tpu.memory_space<vmem>> -> memref<1x1x128xi32, #tpu.memory_space<vmem>>
        %dma_start3A_302 = tpu.memref_squeeze %dma_start3A_301 : memref<1x1x128xi32, #tpu.memory_space<vmem>> -> memref<128xi32, #tpu.memory_space<vmem>>
        %dma_start3A_303 = arith.constant 0 : i32
        %dma_start3A_304 = arith.constant 0 : i32
        %dma_start3A_305 = tpu.memref_slice %arg14[%dma_start3A_303, %dma_start3A_304] : memref<10112x32xf32, #tpu.memory_space<vmem_shared>> -> memref<10112x32xf32, #tpu.memory_space<vmem_shared>>
        tpu.enqueue_indirect_dma source(%dma_start3A_305 : memref<10112x32xf32, #tpu.memory_space<vmem_shared>>) target(%arg9 : memref<128x32xf32, #tpu.memory_space<vmem>>) offsets(%dma_start3A_302 : memref<128xi32, #tpu.memory_space<vmem>>) semaphore(%arg18 : memref<!tpu.dma_semaphore, #tpu.memory_space<semaphore_mem>>)
      } else {
      }
      %mul3A_229 = arith.constant 6 : i32
      %mul3A_230 = arith.muli %scan3A_110, %mul3A_229 : i32
      %add3A_231 = arith.constant 4 : i32
      %add3A_232 = arith.addi %mul3A_230, %add3A_231 : i32
      %dma_wait3A_233 = arith.constant 0 : i32
      %dma_wait3A_234 = arith.constant 0 : i32
      %dma_wait3A_235 = tpu.memref_slice %arg6[%add3A_232, %dma_wait3A_233, %dma_wait3A_234] : memref<79x2x128xi32, #tpu.memory_space<vmem>> -> memref<1x1x128xi32, #tpu.memory_space<vmem>>
      %dma_wait3A_236 = tpu.memref_squeeze %dma_wait3A_235 : memref<1x1x128xi32, #tpu.memory_space<vmem>> -> memref<128xi32, #tpu.memory_space<vmem>>
      %dma_wait3A_237 = arith.constant 0 : i32
      %dma_wait3A_238 = arith.constant 0 : i32
      %dma_wait3A_239 = tpu.memref_slice %arg14[%dma_wait3A_237, %dma_wait3A_238] : memref<10112x32xf32, #tpu.memory_space<vmem_shared>> -> memref<10112x32xf32, #tpu.memory_space<vmem_shared>>
      tpu.wait_indirect_dma semaphore(%arg20 : memref<!tpu.dma_semaphore, #tpu.memory_space<semaphore_mem>>) src(%dma_wait3A_239 : memref<10112x32xf32, #tpu.memory_space<vmem_shared>>) dst(%arg11 : memref<128x32xf32, #tpu.memory_space<vmem>>)
      %dma_start3A_240 = arith.constant 1 : i32
      %dma_start3A_241 = arith.constant 0 : i32
      %dma_start3A_242 = tpu.memref_slice %arg6[%add3A_232, %dma_start3A_240, %dma_start3A_241] : memref<79x2x128xi32, #tpu.memory_space<vmem>> -> memref<1x1x128xi32, #tpu.memory_space<vmem>>
      %dma_start3A_243 = tpu.memref_squeeze %dma_start3A_242 : memref<1x1x128xi32, #tpu.memory_space<vmem>> -> memref<128xi32, #tpu.memory_space<vmem>>
      %dma_start3A_244 = arith.constant 0 : i32
      %dma_start3A_245 = arith.constant 0 : i32
      %dma_start3A_246 = tpu.memref_slice %arg15[%dma_start3A_244, %dma_start3A_245] : memref<10112x32xf32, #tpu.memory_space<vmem_shared>> -> memref<10112x32xf32, #tpu.memory_space<vmem_shared>>
      tpu.enqueue_indirect_dma source(%arg11 : memref<128x32xf32, #tpu.memory_space<vmem>>) target(%dma_start3A_246 : memref<10112x32xf32, #tpu.memory_space<vmem_shared>>) offsets(%dma_start3A_243 : memref<128xi32, #tpu.memory_space<vmem>>) semaphore(%arg26 : memref<!tpu.dma_semaphore, #tpu.memory_space<semaphore_mem>>) {add = true}
      %sub3A_247 = arith.constant 1 : i32
      %sub3A_248 = arith.subi %add3A_232, %sub3A_247 : i32
      %ge3A_249 = arith.constant 0 : i32
      %ge3A_250 = arith.cmpi sge, %sub3A_248, %ge3A_249 : i32
      %add3A_251 = arith.constant 6 : i32
      %add3A_252 = arith.addi %sub3A_248, %add3A_251 : i32
      %lt3A_253 = arith.constant 78 : i32
      %lt3A_254 = arith.cmpi slt, %add3A_252, %lt3A_253 : i32
      %and3A_255 = arith.andi %ge3A_250, %lt3A_254 : i1
      %convert_element_type3A_256 = arith.extui %and3A_255 : i1 to i32
      %cond3A_257 = arith.constant 0 : i32
      %cond3A_258 = arith.cmpi ne, %convert_element_type3A_256, %cond3A_257 : i32
      scf.if %cond3A_258 {
        %dma_wait3A_289 = arith.constant 0 : i32
        %dma_wait3A_290 = arith.constant 1 : i32
        %dma_wait3A_291 = arith.constant 0 : i32
        %dma_wait3A_292 = tpu.memref_slice %arg6[%dma_wait3A_289, %dma_wait3A_290, %dma_wait3A_291] : memref<79x2x128xi32, #tpu.memory_space<vmem>> -> memref<1x1x128xi32, #tpu.memory_space<vmem>>
        %dma_wait3A_293 = tpu.memref_squeeze %dma_wait3A_292 : memref<1x1x128xi32, #tpu.memory_space<vmem>> -> memref<128xi32, #tpu.memory_space<vmem>>
        %dma_wait3A_294 = arith.constant 0 : i32
        %dma_wait3A_295 = arith.constant 0 : i32
        %dma_wait3A_296 = tpu.memref_slice %arg15[%dma_wait3A_294, %dma_wait3A_295] : memref<10112x32xf32, #tpu.memory_space<vmem_shared>> -> memref<10112x32xf32, #tpu.memory_space<vmem_shared>>
        tpu.wait_indirect_dma semaphore(%arg25 : memref<!tpu.dma_semaphore, #tpu.memory_space<semaphore_mem>>) src(%arg10 : memref<128x32xf32, #tpu.memory_space<vmem>>) dst(%dma_wait3A_296 : memref<10112x32xf32, #tpu.memory_space<vmem_shared>>)
        %add3A_297 = arith.constant 6 : i32
        %add3A_298 = arith.addi %sub3A_248, %add3A_297 : i32
        %dma_start3A_299 = arith.constant 0 : i32
        %dma_start3A_300 = arith.constant 0 : i32
        %dma_start3A_301 = tpu.memref_slice %arg6[%add3A_298, %dma_start3A_299, %dma_start3A_300] : memref<79x2x128xi32, #tpu.memory_space<vmem>> -> memref<1x1x128xi32, #tpu.memory_space<vmem>>
        %dma_start3A_302 = tpu.memref_squeeze %dma_start3A_301 : memref<1x1x128xi32, #tpu.memory_space<vmem>> -> memref<128xi32, #tpu.memory_space<vmem>>
        %dma_start3A_303 = arith.constant 0 : i32
        %dma_start3A_304 = arith.constant 0 : i32
        %dma_start3A_305 = tpu.memref_slice %arg14[%dma_start3A_303, %dma_start3A_304] : memref<10112x32xf32, #tpu.memory_space<vmem_shared>> -> memref<10112x32xf32, #tpu.memory_space<vmem_shared>>
        tpu.enqueue_indirect_dma source(%dma_start3A_305 : memref<10112x32xf32, #tpu.memory_space<vmem_shared>>) target(%arg10 : memref<128x32xf32, #tpu.memory_space<vmem>>) offsets(%dma_start3A_302 : memref<128xi32, #tpu.memory_space<vmem>>) semaphore(%arg19 : memref<!tpu.dma_semaphore, #tpu.memory_space<semaphore_mem>>)
      } else {
      }
      %mul3A_259 = arith.constant 6 : i32
      %mul3A_260 = arith.muli %scan3A_110, %mul3A_259 : i32
      %add3A_261 = arith.constant 5 : i32
      %add3A_262 = arith.addi %mul3A_260, %add3A_261 : i32
      %dma_wait3A_263 = arith.constant 0 : i32
      %dma_wait3A_264 = arith.constant 0 : i32
      %dma_wait3A_265 = tpu.memref_slice %arg6[%add3A_262, %dma_wait3A_263, %dma_wait3A_264] : memref<79x2x128xi32, #tpu.memory_space<vmem>> -> memref<1x1x128xi32, #tpu.memory_space<vmem>>
      %dma_wait3A_266 = tpu.memref_squeeze %dma_wait3A_265 : memref<1x1x128xi32, #tpu.memory_space<vmem>> -> memref<128xi32, #tpu.memory_space<vmem>>
      %dma_wait3A_267 = arith.constant 0 : i32
      %dma_wait3A_268 = arith.constant 0 : i32
      %dma_wait3A_269 = tpu.memref_slice %arg14[%dma_wait3A_267, %dma_wait3A_268] : memref<10112x32xf32, #tpu.memory_space<vmem_shared>> -> memref<10112x32xf32, #tpu.memory_space<vmem_shared>>
      tpu.wait_indirect_dma semaphore(%arg21 : memref<!tpu.dma_semaphore, #tpu.memory_space<semaphore_mem>>) src(%dma_wait3A_269 : memref<10112x32xf32, #tpu.memory_space<vmem_shared>>) dst(%arg12 : memref<128x32xf32, #tpu.memory_space<vmem>>)
      %dma_start3A_270 = arith.constant 1 : i32
      %dma_start3A_271 = arith.constant 0 : i32
      %dma_start3A_272 = tpu.memref_slice %arg6[%add3A_262, %dma_start3A_270, %dma_start3A_271] : memref<79x2x128xi32, #tpu.memory_space<vmem>> -> memref<1x1x128xi32, #tpu.memory_space<vmem>>
      %dma_start3A_273 = tpu.memref_squeeze %dma_start3A_272 : memref<1x1x128xi32, #tpu.memory_space<vmem>> -> memref<128xi32, #tpu.memory_space<vmem>>
      %dma_start3A_274 = arith.constant 0 : i32
      %dma_start3A_275 = arith.constant 0 : i32
      %dma_start3A_276 = tpu.memref_slice %arg15[%dma_start3A_274, %dma_start3A_275] : memref<10112x32xf32, #tpu.memory_space<vmem_shared>> -> memref<10112x32xf32, #tpu.memory_space<vmem_shared>>
      tpu.enqueue_indirect_dma source(%arg12 : memref<128x32xf32, #tpu.memory_space<vmem>>) target(%dma_start3A_276 : memref<10112x32xf32, #tpu.memory_space<vmem_shared>>) offsets(%dma_start3A_273 : memref<128xi32, #tpu.memory_space<vmem>>) semaphore(%arg27 : memref<!tpu.dma_semaphore, #tpu.memory_space<semaphore_mem>>) {add = true}
      %sub3A_277 = arith.constant 1 : i32
      %sub3A_278 = arith.subi %add3A_262, %sub3A_277 : i32
      %ge3A_279 = arith.constant 0 : i32
      %ge3A_280 = arith.cmpi sge, %sub3A_278, %ge3A_279 : i32
      %add3A_281 = arith.constant 6 : i32
      %add3A_282 = arith.addi %sub3A_278, %add3A_281 : i32
      %lt3A_283 = arith.constant 78 : i32
      %lt3A_284 = arith.cmpi slt, %add3A_282, %lt3A_283 : i32
      %and3A_285 = arith.andi %ge3A_280, %lt3A_284 : i1
      %convert_element_type3A_286 = arith.extui %and3A_285 : i1 to i32
      %cond3A_287 = arith.constant 0 : i32
      %cond3A_288 = arith.cmpi ne, %convert_element_type3A_286, %cond3A_287 : i32
      scf.if %cond3A_288 {
        %dma_wait3A_289 = arith.constant 0 : i32
        %dma_wait3A_290 = arith.constant 1 : i32
        %dma_wait3A_291 = arith.constant 0 : i32
        %dma_wait3A_292 = tpu.memref_slice %arg6[%dma_wait3A_289, %dma_wait3A_290, %dma_wait3A_291] : memref<79x2x128xi32, #tpu.memory_space<vmem>> -> memref<1x1x128xi32, #tpu.memory_space<vmem>>
        %dma_wait3A_293 = tpu.memref_squeeze %dma_wait3A_292 : memref<1x1x128xi32, #tpu.memory_space<vmem>> -> memref<128xi32, #tpu.memory_space<vmem>>
        %dma_wait3A_294 = arith.constant 0 : i32
        %dma_wait3A_295 = arith.constant 0 : i32
        %dma_wait3A_296 = tpu.memref_slice %arg15[%dma_wait3A_294, %dma_wait3A_295] : memref<10112x32xf32, #tpu.memory_space<vmem_shared>> -> memref<10112x32xf32, #tpu.memory_space<vmem_shared>>
        tpu.wait_indirect_dma semaphore(%arg26 : memref<!tpu.dma_semaphore, #tpu.memory_space<semaphore_mem>>) src(%arg11 : memref<128x32xf32, #tpu.memory_space<vmem>>) dst(%dma_wait3A_296 : memref<10112x32xf32, #tpu.memory_space<vmem_shared>>)
        %add3A_297 = arith.constant 6 : i32
        %add3A_298 = arith.addi %sub3A_278, %add3A_297 : i32
        %dma_start3A_299 = arith.constant 0 : i32
        %dma_start3A_300 = arith.constant 0 : i32
        %dma_start3A_301 = tpu.memref_slice %arg6[%add3A_298, %dma_start3A_299, %dma_start3A_300] : memref<79x2x128xi32, #tpu.memory_space<vmem>> -> memref<1x1x128xi32, #tpu.memory_space<vmem>>
        %dma_start3A_302 = tpu.memref_squeeze %dma_start3A_301 : memref<1x1x128xi32, #tpu.memory_space<vmem>> -> memref<128xi32, #tpu.memory_space<vmem>>
        %dma_start3A_303 = arith.constant 0 : i32
        %dma_start3A_304 = arith.constant 0 : i32
        %dma_start3A_305 = tpu.memref_slice %arg14[%dma_start3A_303, %dma_start3A_304] : memref<10112x32xf32, #tpu.memory_space<vmem_shared>> -> memref<10112x32xf32, #tpu.memory_space<vmem_shared>>
        tpu.enqueue_indirect_dma source(%dma_start3A_305 : memref<10112x32xf32, #tpu.memory_space<vmem_shared>>) target(%arg11 : memref<128x32xf32, #tpu.memory_space<vmem>>) offsets(%dma_start3A_302 : memref<128xi32, #tpu.memory_space<vmem>>) semaphore(%arg20 : memref<!tpu.dma_semaphore, #tpu.memory_space<semaphore_mem>>)
      } else {
      }
    }
    %scan3A_59 = arith.constant 13 : i32
    %dma_wait3A = arith.constant 0 : i32
    %dma_wait3A_60 = arith.constant 1 : i32
    %dma_wait3A_61 = arith.constant 0 : i32
    %dma_wait3A_62 = tpu.memref_slice %arg6[%dma_wait3A, %dma_wait3A_60, %dma_wait3A_61] : memref<79x2x128xi32, #tpu.memory_space<vmem>> -> memref<1x1x128xi32, #tpu.memory_space<vmem>>
    %dma_wait3A_63 = tpu.memref_squeeze %dma_wait3A_62 : memref<1x1x128xi32, #tpu.memory_space<vmem>> -> memref<128xi32, #tpu.memory_space<vmem>>
    %dma_wait3A_64 = arith.constant 0 : i32
    %dma_wait3A_65 = arith.constant 0 : i32
    %dma_wait3A_66 = tpu.memref_slice %arg15[%dma_wait3A_64, %dma_wait3A_65] : memref<10112x32xf32, #tpu.memory_space<vmem_shared>> -> memref<10112x32xf32, #tpu.memory_space<vmem_shared>>
    tpu.wait_indirect_dma semaphore(%arg22 : memref<!tpu.dma_semaphore, #tpu.memory_space<semaphore_mem>>) src(%arg7 : memref<128x32xf32, #tpu.memory_space<vmem>>) dst(%dma_wait3A_66 : memref<10112x32xf32, #tpu.memory_space<vmem_shared>>)
    %dma_wait3A_67 = arith.constant 0 : i32
    %dma_wait3A_68 = arith.constant 1 : i32
    %dma_wait3A_69 = arith.constant 0 : i32
    %dma_wait3A_70 = tpu.memref_slice %arg6[%dma_wait3A_67, %dma_wait3A_68, %dma_wait3A_69] : memref<79x2x128xi32, #tpu.memory_space<vmem>> -> memref<1x1x128xi32, #tpu.memory_space<vmem>>
    %dma_wait3A_71 = tpu.memref_squeeze %dma_wait3A_70 : memref<1x1x128xi32, #tpu.memory_space<vmem>> -> memref<128xi32, #tpu.memory_space<vmem>>
    %dma_wait3A_72 = arith.constant 0 : i32
    %dma_wait3A_73 = arith.constant 0 : i32
    %dma_wait3A_74 = tpu.memref_slice %arg15[%dma_wait3A_72, %dma_wait3A_73] : memref<10112x32xf32, #tpu.memory_space<vmem_shared>> -> memref<10112x32xf32, #tpu.memory_space<vmem_shared>>
    tpu.wait_indirect_dma semaphore(%arg23 : memref<!tpu.dma_semaphore, #tpu.memory_space<semaphore_mem>>) src(%arg8 : memref<128x32xf32, #tpu.memory_space<vmem>>) dst(%dma_wait3A_74 : memref<10112x32xf32, #tpu.memory_space<vmem_shared>>)
    %dma_wait3A_75 = arith.constant 0 : i32
    %dma_wait3A_76 = arith.constant 1 : i32
    %dma_wait3A_77 = arith.constant 0 : i32
    %dma_wait3A_78 = tpu.memref_slice %arg6[%dma_wait3A_75, %dma_wait3A_76, %dma_wait3A_77] : memref<79x2x128xi32, #tpu.memory_space<vmem>> -> memref<1x1x128xi32, #tpu.memory_space<vmem>>
    %dma_wait3A_79 = tpu.memref_squeeze %dma_wait3A_78 : memref<1x1x128xi32, #tpu.memory_space<vmem>> -> memref<128xi32, #tpu.memory_space<vmem>>
    %dma_wait3A_80 = arith.constant 0 : i32
    %dma_wait3A_81 = arith.constant 0 : i32
    %dma_wait3A_82 = tpu.memref_slice %arg15[%dma_wait3A_80, %dma_wait3A_81] : memref<10112x32xf32, #tpu.memory_space<vmem_shared>> -> memref<10112x32xf32, #tpu.memory_space<vmem_shared>>
    tpu.wait_indirect_dma semaphore(%arg24 : memref<!tpu.dma_semaphore, #tpu.memory_space<semaphore_mem>>) src(%arg9 : memref<128x32xf32, #tpu.memory_space<vmem>>) dst(%dma_wait3A_82 : memref<10112x32xf32, #tpu.memory_space<vmem_shared>>)
    %dma_wait3A_83 = arith.constant 0 : i32
    %dma_wait3A_84 = arith.constant 1 : i32
    %dma_wait3A_85 = arith.constant 0 : i32
    %dma_wait3A_86 = tpu.memref_slice %arg6[%dma_wait3A_83, %dma_wait3A_84, %dma_wait3A_85] : memref<79x2x128xi32, #tpu.memory_space<vmem>> -> memref<1x1x128xi32, #tpu.memory_space<vmem>>
    %dma_wait3A_87 = tpu.memref_squeeze %dma_wait3A_86 : memref<1x1x128xi32, #tpu.memory_space<vmem>> -> memref<128xi32, #tpu.memory_space<vmem>>
    %dma_wait3A_88 = arith.constant 0 : i32
    %dma_wait3A_89 = arith.constant 0 : i32
    %dma_wait3A_90 = tpu.memref_slice %arg15[%dma_wait3A_88, %dma_wait3A_89] : memref<10112x32xf32, #tpu.memory_space<vmem_shared>> -> memref<10112x32xf32, #tpu.memory_space<vmem_shared>>
    tpu.wait_indirect_dma semaphore(%arg25 : memref<!tpu.dma_semaphore, #tpu.memory_space<semaphore_mem>>) src(%arg10 : memref<128x32xf32, #tpu.memory_space<vmem>>) dst(%dma_wait3A_90 : memref<10112x32xf32, #tpu.memory_space<vmem_shared>>)
    %dma_wait3A_91 = arith.constant 0 : i32
    %dma_wait3A_92 = arith.constant 1 : i32
    %dma_wait3A_93 = arith.constant 0 : i32
    %dma_wait3A_94 = tpu.memref_slice %arg6[%dma_wait3A_91, %dma_wait3A_92, %dma_wait3A_93] : memref<79x2x128xi32, #tpu.memory_space<vmem>> -> memref<1x1x128xi32, #tpu.memory_space<vmem>>
    %dma_wait3A_95 = tpu.memref_squeeze %dma_wait3A_94 : memref<1x1x128xi32, #tpu.memory_space<vmem>> -> memref<128xi32, #tpu.memory_space<vmem>>
    %dma_wait3A_96 = arith.constant 0 : i32
    %dma_wait3A_97 = arith.constant 0 : i32
    %dma_wait3A_98 = tpu.memref_slice %arg15[%dma_wait3A_96, %dma_wait3A_97] : memref<10112x32xf32, #tpu.memory_space<vmem_shared>> -> memref<10112x32xf32, #tpu.memory_space<vmem_shared>>
    tpu.wait_indirect_dma semaphore(%arg26 : memref<!tpu.dma_semaphore, #tpu.memory_space<semaphore_mem>>) src(%arg11 : memref<128x32xf32, #tpu.memory_space<vmem>>) dst(%dma_wait3A_98 : memref<10112x32xf32, #tpu.memory_space<vmem_shared>>)
    %dma_wait3A_99 = arith.constant 0 : i32
    %dma_wait3A_100 = arith.constant 1 : i32
    %dma_wait3A_101 = arith.constant 0 : i32
    %dma_wait3A_102 = tpu.memref_slice %arg6[%dma_wait3A_99, %dma_wait3A_100, %dma_wait3A_101] : memref<79x2x128xi32, #tpu.memory_space<vmem>> -> memref<1x1x128xi32, #tpu.memory_space<vmem>>
    %dma_wait3A_103 = tpu.memref_squeeze %dma_wait3A_102 : memref<1x1x128xi32, #tpu.memory_space<vmem>> -> memref<128xi32, #tpu.memory_space<vmem>>
    %dma_wait3A_104 = arith.constant 0 : i32
    %dma_wait3A_105 = arith.constant 0 : i32
    %dma_wait3A_106 = tpu.memref_slice %arg15[%dma_wait3A_104, %dma_wait3A_105] : memref<10112x32xf32, #tpu.memory_space<vmem_shared>> -> memref<10112x32xf32, #tpu.memory_space<vmem_shared>>
    tpu.wait_indirect_dma semaphore(%arg27 : memref<!tpu.dma_semaphore, #tpu.memory_space<semaphore_mem>>) src(%arg12 : memref<128x32xf32, #tpu.memory_space<vmem>>) dst(%dma_wait3A_106 : memref<10112x32xf32, #tpu.memory_space<vmem_shared>>)
    %ge3A = arith.constant 28 : i32
    %ge3A_107 = arith.cmpi sge, %add3A, %ge3A : i32
    %convert_element_type3A = arith.extui %ge3A_107 : i1 to i32
    %cond3A = arith.constant 0 : i32
    %cond3A_108 = arith.cmpi ne, %convert_element_type3A, %cond3A : i32
    scf.if %cond3A_108 {
      %dma_start3A_110 = arith.constant 78 : i32
      %dma_start3A_111 = arith.constant 0 : i32
      %dma_start3A_112 = arith.constant 0 : i32
      %dma_start3A_113 = tpu.memref_slice %arg6[%dma_start3A_110, %dma_start3A_111, %dma_start3A_112] : memref<79x2x128xi32, #tpu.memory_space<vmem>> -> memref<1x1x128xi32, #tpu.memory_space<vmem>>
      %dma_start3A_114 = tpu.memref_squeeze %dma_start3A_113 : memref<1x1x128xi32, #tpu.memory_space<vmem>> -> memref<128xi32, #tpu.memory_space<vmem>>
      %dma_start3A_115 = arith.constant 0 : i32
      %dma_start3A_116 = arith.constant 0 : i32
      %dma_start3A_117 = tpu.memref_slice %arg14[%dma_start3A_115, %dma_start3A_116] : memref<10112x32xf32, #tpu.memory_space<vmem_shared>> -> memref<10112x32xf32, #tpu.memory_space<vmem_shared>>
      tpu.enqueue_indirect_dma source(%dma_start3A_117 : memref<10112x32xf32, #tpu.memory_space<vmem_shared>>) target(%arg7 : memref<128x32xf32, #tpu.memory_space<vmem>>) offsets(%dma_start3A_114 : memref<128xi32, #tpu.memory_space<vmem>>) semaphore(%arg16 : memref<!tpu.dma_semaphore, #tpu.memory_space<semaphore_mem>>)
      %dma_wait3A_118 = arith.constant 78 : i32
      %dma_wait3A_119 = arith.constant 0 : i32
      %dma_wait3A_120 = arith.constant 0 : i32
      %dma_wait3A_121 = tpu.memref_slice %arg6[%dma_wait3A_118, %dma_wait3A_119, %dma_wait3A_120] : memref<79x2x128xi32, #tpu.memory_space<vmem>> -> memref<1x1x128xi32, #tpu.memory_space<vmem>>
      %dma_wait3A_122 = tpu.memref_squeeze %dma_wait3A_121 : memref<1x1x128xi32, #tpu.memory_space<vmem>> -> memref<128xi32, #tpu.memory_space<vmem>>
      %dma_wait3A_123 = arith.constant 0 : i32
      %dma_wait3A_124 = arith.constant 0 : i32
      %dma_wait3A_125 = tpu.memref_slice %arg14[%dma_wait3A_123, %dma_wait3A_124] : memref<10112x32xf32, #tpu.memory_space<vmem_shared>> -> memref<10112x32xf32, #tpu.memory_space<vmem_shared>>
      tpu.wait_indirect_dma semaphore(%arg16 : memref<!tpu.dma_semaphore, #tpu.memory_space<semaphore_mem>>) src(%dma_wait3A_125 : memref<10112x32xf32, #tpu.memory_space<vmem_shared>>) dst(%arg7 : memref<128x32xf32, #tpu.memory_space<vmem>>)
      %run_scoped3A = arith.constant 78 : i32
      %run_scoped3A_126 = arith.constant 1 : i32
      "tpu.region"() ({
        %run_scoped3A_127 = tpu.sem_alloc : memref<!tpu.dma_semaphore, #tpu.memory_space<semaphore_mem>>
        %dma_start3A_128 = arith.constant 0 : i32
        %dma_start3A_129 = tpu.memref_slice %arg6[%run_scoped3A, %run_scoped3A_126, %dma_start3A_128] : memref<79x2x128xi32, #tpu.memory_space<vmem>> -> memref<1x1x128xi32, #tpu.memory_space<vmem>>
        %dma_start3A_130 = tpu.memref_squeeze %dma_start3A_129 : memref<1x1x128xi32, #tpu.memory_space<vmem>> -> memref<128xi32, #tpu.memory_space<vmem>>
        %dma_start3A_131 = arith.constant 0 : i32
        %dma_start3A_132 = arith.constant 0 : i32
        %dma_start3A_133 = tpu.memref_slice %arg15[%dma_start3A_131, %dma_start3A_132] : memref<10112x32xf32, #tpu.memory_space<vmem_shared>> -> memref<10112x32xf32, #tpu.memory_space<vmem_shared>>
        tpu.enqueue_indirect_dma source(%arg7 : memref<128x32xf32, #tpu.memory_space<vmem>>) target(%dma_start3A_133 : memref<10112x32xf32, #tpu.memory_space<vmem_shared>>) offsets(%dma_start3A_130 : memref<128xi32, #tpu.memory_space<vmem>>) semaphore(%run_scoped3A_127 : memref<!tpu.dma_semaphore, #tpu.memory_space<semaphore_mem>>) {add = true}
        %dma_wait3A_134 = arith.constant 0 : i32
        %dma_wait3A_135 = tpu.memref_slice %arg6[%run_scoped3A, %run_scoped3A_126, %dma_wait3A_134] : memref<79x2x128xi32, #tpu.memory_space<vmem>> -> memref<1x1x128xi32, #tpu.memory_space<vmem>>
        %dma_wait3A_136 = tpu.memref_squeeze %dma_wait3A_135 : memref<1x1x128xi32, #tpu.memory_space<vmem>> -> memref<128xi32, #tpu.memory_space<vmem>>
        %dma_wait3A_137 = arith.constant 0 : i32
        %dma_wait3A_138 = arith.constant 0 : i32
        %dma_wait3A_139 = tpu.memref_slice %arg15[%dma_wait3A_137, %dma_wait3A_138] : memref<10112x32xf32, #tpu.memory_space<vmem_shared>> -> memref<10112x32xf32, #tpu.memory_space<vmem_shared>>
        tpu.wait_indirect_dma semaphore(%run_scoped3A_127 : memref<!tpu.dma_semaphore, #tpu.memory_space<semaphore_mem>>) src(%arg7 : memref<128x32xf32, #tpu.memory_space<vmem>>) dst(%dma_wait3A_139 : memref<10112x32xf32, #tpu.memory_space<vmem_shared>>)
        tpu.yield
      }) : () -> ()
    } else {
    }
    %barrier3A_109 = arith.constant 0 : index
    tpu.barrier barrier_id(%barrier3A_109)
    "tpu.region"() ({
      %run_scoped3A = tpu.sem_alloc : memref<!tpu.dma_semaphore, #tpu.memory_space<semaphore_mem>>
      %dma_start3A_110 = arith.constant 0 : i32
      %dma_start3A_111 = tpu.memref_slice %arg15[%mul3A_2, %dma_start3A_110] : memref<10112x32xf32, #tpu.memory_space<vmem_shared>> -> memref<632x32xf32, #tpu.memory_space<vmem_shared>>
      %dma_start3A_112 = arith.constant 0 : i32
      %dma_start3A_113 = tpu.memref_slice %arg15[%mul3A_2, %dma_start3A_112] : memref<10112x32xf32, #tpu.memory_space<vmem_shared>> -> memref<632x32xf32, #tpu.memory_space<vmem_shared>>
      tpu.enqueue_dma source(%dma_start3A_113 : memref<632x32xf32, #tpu.memory_space<vmem_shared>>) target(%arg13 : memref<632x32xf32, #tpu.memory_space<vmem>>) target_semaphore(%run_scoped3A : memref<!tpu.dma_semaphore, #tpu.memory_space<semaphore_mem>>)
      %dma_wait3A_114 = arith.constant 0 : i32
      %dma_wait3A_115 = tpu.memref_slice %arg15[%mul3A_2, %dma_wait3A_114] : memref<10112x32xf32, #tpu.memory_space<vmem_shared>> -> memref<632x32xf32, #tpu.memory_space<vmem_shared>>
      %dma_wait3A_116 = arith.constant 0 : i32
      %dma_wait3A_117 = tpu.memref_slice %arg15[%mul3A_2, %dma_wait3A_116] : memref<10112x32xf32, #tpu.memory_space<vmem_shared>> -> memref<632x32xf32, #tpu.memory_space<vmem_shared>>
      tpu.wait_dma2 semaphore(%run_scoped3A : memref<!tpu.dma_semaphore, #tpu.memory_space<semaphore_mem>>) src(%dma_wait3A_117 : memref<632x32xf32, #tpu.memory_space<vmem_shared>>) dst(%arg13 : memref<632x32xf32, #tpu.memory_space<vmem>>)
      tpu.yield
    }) : () -> ()
    "tpu.region"() ({
      %run_scoped3A = tpu.sem_alloc : memref<!tpu.dma_semaphore, #tpu.memory_space<semaphore_mem>>
      %dma_start3A_110 = arith.constant 0 : i32
      %dma_start3A_111 = tpu.memref_slice %arg5[%arg0, %mul3A_2, %dma_start3A_110] : memref<2x10112x32xf32, #tpu.memory_space<hbm>> -> memref<1x632x32xf32, #tpu.memory_space<hbm>>
      %dma_start3A_112 = tpu.memref_squeeze %dma_start3A_111 : memref<1x632x32xf32, #tpu.memory_space<hbm>> -> memref<632x32xf32, #tpu.memory_space<hbm>>
      %dma_start3A_113 = arith.constant 0 : i32
      %dma_start3A_114 = tpu.memref_slice %arg5[%arg0, %mul3A_2, %dma_start3A_113] : memref<2x10112x32xf32, #tpu.memory_space<hbm>> -> memref<1x632x32xf32, #tpu.memory_space<hbm>>
      %dma_start3A_115 = tpu.memref_squeeze %dma_start3A_114 : memref<1x632x32xf32, #tpu.memory_space<hbm>> -> memref<632x32xf32, #tpu.memory_space<hbm>>
      tpu.enqueue_dma source(%arg13 : memref<632x32xf32, #tpu.memory_space<vmem>>) target(%dma_start3A_115 : memref<632x32xf32, #tpu.memory_space<hbm>>) target_semaphore(%run_scoped3A : memref<!tpu.dma_semaphore, #tpu.memory_space<semaphore_mem>>)
      %dma_wait3A_116 = arith.constant 0 : i32
      %dma_wait3A_117 = tpu.memref_slice %arg5[%arg0, %mul3A_2, %dma_wait3A_116] : memref<2x10112x32xf32, #tpu.memory_space<hbm>> -> memref<1x632x32xf32, #tpu.memory_space<hbm>>
      %dma_wait3A_118 = tpu.memref_squeeze %dma_wait3A_117 : memref<1x632x32xf32, #tpu.memory_space<hbm>> -> memref<632x32xf32, #tpu.memory_space<hbm>>
      %dma_wait3A_119 = arith.constant 0 : i32
      %dma_wait3A_120 = tpu.memref_slice %arg5[%arg0, %mul3A_2, %dma_wait3A_119] : memref<2x10112x32xf32, #tpu.memory_space<hbm>> -> memref<1x632x32xf32, #tpu.memory_space<hbm>>
      %dma_wait3A_121 = tpu.memref_squeeze %dma_wait3A_120 : memref<1x632x32xf32, #tpu.memory_space<hbm>> -> memref<632x32xf32, #tpu.memory_space<hbm>>
      tpu.wait_dma2 semaphore(%run_scoped3A : memref<!tpu.dma_semaphore, #tpu.memory_space<semaphore_mem>>) src(%arg13 : memref<632x32xf32, #tpu.memory_space<vmem>>) dst(%dma_wait3A_121 : memref<632x32xf32, #tpu.memory_space<hbm>>)
      tpu.yield
    }) : () -> ()
    return
  }
}

#map = affine_map<(d0, d1) -> (0, 0, 0)>
#map1 = affine_map<(d0, d1) -> (0, 0)>
module attributes {stable_mosaic.version = 14 : i64} {
  func.func @spmm(%arg0: i32, %arg1: i32, %arg2: memref<2500x2x128xi32, #tpu.memory_space<hbm>>, %arg3: memref<10112x16xf32, #tpu.memory_space<hbm>>, %arg4: memref<10112x16xf32, #tpu.memory_space<hbm>>, %arg5: memref<2x10112x16xf32, #tpu.memory_space<hbm>>, %arg6: memref<79x2x128xi32, #tpu.memory_space<vmem>>, %arg7: memref<128x16xf32, #tpu.memory_space<vmem>>, %arg8: memref<128x16xf32, #tpu.memory_space<vmem>>, %arg9: memref<128x16xf32, #tpu.memory_space<vmem>>, %arg10: memref<128x16xf32, #tpu.memory_space<vmem>>, %arg11: memref<128x16xf32, #tpu.memory_space<vmem>>, %arg12: memref<128x16xf32, #tpu.memory_space<vmem>>, %arg13: memref<632x16xf32, #tpu.memory_space<vmem>>, %arg14: memref<10112x16xf32, #tpu.memory_space<vmem_shared>>, %arg15: memref<10112x16xf32, #tpu.memory_space<vmem_shared>>, %arg16: memref<!tpu.dma_semaphore, #tpu.memory_space<semaphore_mem>>, %arg17: memref<!tpu.dma_semaphore, #tpu.memory_space<semaphore_mem>>, %arg18: memref<!tpu.dma_semaphore, #tpu.memory_space<semaphore_mem>>, %arg19: memref<!tpu.dma_semaphore, #tpu.memory_space<semaphore_mem>>, %arg20: memref<!tpu.dma_semaphore, #tpu.memory_space<semaphore_mem>>, %arg21: memref<!tpu.dma_semaphore, #tpu.memory_space<semaphore_mem>>, %arg22: memref<!tpu.dma_semaphore, #tpu.memory_space<semaphore_mem>>, %arg23: memref<!tpu.dma_semaphore, #tpu.memory_space<semaphore_mem>>, %arg24: memref<!tpu.dma_semaphore, #tpu.memory_space<semaphore_mem>>, %arg25: memref<!tpu.dma_semaphore, #tpu.memory_space<semaphore_mem>>, %arg26: memref<!tpu.dma_semaphore, #tpu.memory_space<semaphore_mem>>, %arg27: memref<!tpu.dma_semaphore, #tpu.memory_space<semaphore_mem>>) attributes {dimension_semantics = [#tpu.dimension_semantics<core_parallel>, #tpu.dimension_semantics<subcore_parallel>], iteration_bounds = array<i64: 2, 16>, scalar_prefetch = 0 : i64, scratch_operands = 22 : i64, tpu.core_type = #tpu.core_type<sc_vector_subcore>, window_params = [{transform_indices = #map}, {transform_indices = #map1}, {transform_indices = #map1}, {transform_indices = #map}]} {
    %mul3A = arith.constant 2 : i32
    %mul3A_0 = arith.muli %arg1, %mul3A : i32
    %add3A = arith.addi %mul3A_0, %arg0 : i32
    %mul3A_1 = arith.constant 632 : i32
    %mul3A_2 = arith.muli %arg1, %mul3A_1 : i32
    "tpu.region"() ({
      %run_scoped3A = tpu.sem_alloc : memref<!tpu.dma_semaphore, #tpu.memory_space<semaphore_mem>>
      %dma_start3A_110 = arith.constant 0 : i32
      %dma_start3A_111 = tpu.memref_slice %arg4[%mul3A_2, %dma_start3A_110] : memref<10112x16xf32, #tpu.memory_space<hbm>> -> memref<632x16xf32, #tpu.memory_space<hbm>>
      %dma_start3A_112 = arith.constant 0 : i32
      %dma_start3A_113 = tpu.memref_slice %arg4[%mul3A_2, %dma_start3A_112] : memref<10112x16xf32, #tpu.memory_space<hbm>> -> memref<632x16xf32, #tpu.memory_space<hbm>>
      tpu.enqueue_dma source(%dma_start3A_113 : memref<632x16xf32, #tpu.memory_space<hbm>>) target(%arg13 : memref<632x16xf32, #tpu.memory_space<vmem>>) target_semaphore(%run_scoped3A : memref<!tpu.dma_semaphore, #tpu.memory_space<semaphore_mem>>)
      %dma_wait3A_114 = arith.constant 0 : i32
      %dma_wait3A_115 = tpu.memref_slice %arg4[%mul3A_2, %dma_wait3A_114] : memref<10112x16xf32, #tpu.memory_space<hbm>> -> memref<632x16xf32, #tpu.memory_space<hbm>>
      %dma_wait3A_116 = arith.constant 0 : i32
      %dma_wait3A_117 = tpu.memref_slice %arg4[%mul3A_2, %dma_wait3A_116] : memref<10112x16xf32, #tpu.memory_space<hbm>> -> memref<632x16xf32, #tpu.memory_space<hbm>>
      tpu.wait_dma2 semaphore(%run_scoped3A : memref<!tpu.dma_semaphore, #tpu.memory_space<semaphore_mem>>) src(%dma_wait3A_117 : memref<632x16xf32, #tpu.memory_space<hbm>>) dst(%arg13 : memref<632x16xf32, #tpu.memory_space<vmem>>)
      tpu.yield
    }) : () -> ()
    "tpu.region"() ({
      %run_scoped3A = tpu.sem_alloc : memref<!tpu.dma_semaphore, #tpu.memory_space<semaphore_mem>>
      %dma_start3A_110 = arith.constant 0 : i32
      %dma_start3A_111 = tpu.memref_slice %arg15[%mul3A_2, %dma_start3A_110] : memref<10112x16xf32, #tpu.memory_space<vmem_shared>> -> memref<632x16xf32, #tpu.memory_space<vmem_shared>>
      %dma_start3A_112 = arith.constant 0 : i32
      %dma_start3A_113 = tpu.memref_slice %arg15[%mul3A_2, %dma_start3A_112] : memref<10112x16xf32, #tpu.memory_space<vmem_shared>> -> memref<632x16xf32, #tpu.memory_space<vmem_shared>>
      tpu.enqueue_dma source(%arg13 : memref<632x16xf32, #tpu.memory_space<vmem>>) target(%dma_start3A_113 : memref<632x16xf32, #tpu.memory_space<vmem_shared>>) target_semaphore(%run_scoped3A : memref<!tpu.dma_semaphore, #tpu.memory_space<semaphore_mem>>)
      %dma_wait3A_114 = arith.constant 0 : i32
      %dma_wait3A_115 = tpu.memref_slice %arg15[%mul3A_2, %dma_wait3A_114] : memref<10112x16xf32, #tpu.memory_space<vmem_shared>> -> memref<632x16xf32, #tpu.memory_space<vmem_shared>>
      %dma_wait3A_116 = arith.constant 0 : i32
      %dma_wait3A_117 = tpu.memref_slice %arg15[%mul3A_2, %dma_wait3A_116] : memref<10112x16xf32, #tpu.memory_space<vmem_shared>> -> memref<632x16xf32, #tpu.memory_space<vmem_shared>>
      tpu.wait_dma2 semaphore(%run_scoped3A : memref<!tpu.dma_semaphore, #tpu.memory_space<semaphore_mem>>) src(%arg13 : memref<632x16xf32, #tpu.memory_space<vmem>>) dst(%dma_wait3A_117 : memref<632x16xf32, #tpu.memory_space<vmem_shared>>)
      tpu.yield
    }) : () -> ()
    "tpu.region"() ({
      %run_scoped3A = tpu.sem_alloc : memref<!tpu.dma_semaphore, #tpu.memory_space<semaphore_mem>>
      %dma_start3A_110 = arith.constant 0 : i32
      %dma_start3A_111 = tpu.memref_slice %arg3[%mul3A_2, %dma_start3A_110] : memref<10112x16xf32, #tpu.memory_space<hbm>> -> memref<632x16xf32, #tpu.memory_space<hbm>>
      %dma_start3A_112 = arith.constant 0 : i32
      %dma_start3A_113 = tpu.memref_slice %arg3[%mul3A_2, %dma_start3A_112] : memref<10112x16xf32, #tpu.memory_space<hbm>> -> memref<632x16xf32, #tpu.memory_space<hbm>>
      tpu.enqueue_dma source(%dma_start3A_113 : memref<632x16xf32, #tpu.memory_space<hbm>>) target(%arg13 : memref<632x16xf32, #tpu.memory_space<vmem>>) target_semaphore(%run_scoped3A : memref<!tpu.dma_semaphore, #tpu.memory_space<semaphore_mem>>)
      %dma_wait3A_114 = arith.constant 0 : i32
      %dma_wait3A_115 = tpu.memref_slice %arg3[%mul3A_2, %dma_wait3A_114] : memref<10112x16xf32, #tpu.memory_space<hbm>> -> memref<632x16xf32, #tpu.memory_space<hbm>>
      %dma_wait3A_116 = arith.constant 0 : i32
      %dma_wait3A_117 = tpu.memref_slice %arg3[%mul3A_2, %dma_wait3A_116] : memref<10112x16xf32, #tpu.memory_space<hbm>> -> memref<632x16xf32, #tpu.memory_space<hbm>>
      tpu.wait_dma2 semaphore(%run_scoped3A : memref<!tpu.dma_semaphore, #tpu.memory_space<semaphore_mem>>) src(%dma_wait3A_117 : memref<632x16xf32, #tpu.memory_space<hbm>>) dst(%arg13 : memref<632x16xf32, #tpu.memory_space<vmem>>)
      tpu.yield
    }) : () -> ()
    "tpu.region"() ({
      %run_scoped3A = tpu.sem_alloc : memref<!tpu.dma_semaphore, #tpu.memory_space<semaphore_mem>>
      %dma_start3A_110 = arith.constant 0 : i32
      %dma_start3A_111 = tpu.memref_slice %arg14[%mul3A_2, %dma_start3A_110] : memref<10112x16xf32, #tpu.memory_space<vmem_shared>> -> memref<632x16xf32, #tpu.memory_space<vmem_shared>>
      %dma_start3A_112 = arith.constant 0 : i32
      %dma_start3A_113 = tpu.memref_slice %arg14[%mul3A_2, %dma_start3A_112] : memref<10112x16xf32, #tpu.memory_space<vmem_shared>> -> memref<632x16xf32, #tpu.memory_space<vmem_shared>>
      tpu.enqueue_dma source(%arg13 : memref<632x16xf32, #tpu.memory_space<vmem>>) target(%dma_start3A_113 : memref<632x16xf32, #tpu.memory_space<vmem_shared>>) target_semaphore(%run_scoped3A : memref<!tpu.dma_semaphore, #tpu.memory_space<semaphore_mem>>)
      %dma_wait3A_114 = arith.constant 0 : i32
      %dma_wait3A_115 = tpu.memref_slice %arg14[%mul3A_2, %dma_wait3A_114] : memref<10112x16xf32, #tpu.memory_space<vmem_shared>> -> memref<632x16xf32, #tpu.memory_space<vmem_shared>>
      %dma_wait3A_116 = arith.constant 0 : i32
      %dma_wait3A_117 = tpu.memref_slice %arg14[%mul3A_2, %dma_wait3A_116] : memref<10112x16xf32, #tpu.memory_space<vmem_shared>> -> memref<632x16xf32, #tpu.memory_space<vmem_shared>>
      tpu.wait_dma2 semaphore(%run_scoped3A : memref<!tpu.dma_semaphore, #tpu.memory_space<semaphore_mem>>) src(%arg13 : memref<632x16xf32, #tpu.memory_space<vmem>>) dst(%dma_wait3A_117 : memref<632x16xf32, #tpu.memory_space<vmem_shared>>)
      tpu.yield
    }) : () -> ()
    %mul3A_3 = arith.constant 78 : i32
    %mul3A_4 = arith.muli %mul3A_3, %add3A : i32
    %sub3A = arith.constant 28 : i32
    %sub3A_5 = arith.subi %add3A, %sub3A : i32
    %max3A = arith.constant 0 : i32
    %max3A_6 = arith.maxsi %sub3A_5, %max3A : i32
    %add3A_7 = arith.addi %mul3A_4, %max3A_6 : i32
    "tpu.region"() ({
      %run_scoped3A = tpu.sem_alloc : memref<!tpu.dma_semaphore, #tpu.memory_space<semaphore_mem>>
      %dma_start3A_110 = arith.constant 0 : i32
      %dma_start3A_111 = arith.constant 0 : i32
      %dma_start3A_112 = tpu.memref_slice %arg2[%add3A_7, %dma_start3A_110, %dma_start3A_111] : memref<2500x2x128xi32, #tpu.memory_space<hbm>> -> memref<79x2x128xi32, #tpu.memory_space<hbm>>
      %dma_start3A_113 = arith.constant 0 : i32
      %dma_start3A_114 = arith.constant 0 : i32
      %dma_start3A_115 = tpu.memref_slice %arg2[%add3A_7, %dma_start3A_113, %dma_start3A_114] : memref<2500x2x128xi32, #tpu.memory_space<hbm>> -> memref<79x2x128xi32, #tpu.memory_space<hbm>>
      tpu.enqueue_dma source(%dma_start3A_115 : memref<79x2x128xi32, #tpu.memory_space<hbm>>) target(%arg6 : memref<79x2x128xi32, #tpu.memory_space<vmem>>) target_semaphore(%run_scoped3A : memref<!tpu.dma_semaphore, #tpu.memory_space<semaphore_mem>>)
      %dma_wait3A_116 = arith.constant 0 : i32
      %dma_wait3A_117 = arith.constant 0 : i32
      %dma_wait3A_118 = tpu.memref_slice %arg2[%add3A_7, %dma_wait3A_116, %dma_wait3A_117] : memref<2500x2x128xi32, #tpu.memory_space<hbm>> -> memref<79x2x128xi32, #tpu.memory_space<hbm>>
      %dma_wait3A_119 = arith.constant 0 : i32
      %dma_wait3A_120 = arith.constant 0 : i32
      %dma_wait3A_121 = tpu.memref_slice %arg2[%add3A_7, %dma_wait3A_119, %dma_wait3A_120] : memref<2500x2x128xi32, #tpu.memory_space<hbm>> -> memref<79x2x128xi32, #tpu.memory_space<hbm>>
      tpu.wait_dma2 semaphore(%run_scoped3A : memref<!tpu.dma_semaphore, #tpu.memory_space<semaphore_mem>>) src(%dma_wait3A_121 : memref<79x2x128xi32, #tpu.memory_space<hbm>>) dst(%arg6 : memref<79x2x128xi32, #tpu.memory_space<vmem>>)
      tpu.yield
    }) : () -> ()
    %barrier3A = arith.constant 0 : index
    tpu.barrier barrier_id(%barrier3A)
    %dma_start3A = arith.constant 0 : i32
    %dma_start3A_8 = arith.constant 0 : i32
    %dma_start3A_9 = arith.constant 0 : i32
    %dma_start3A_10 = tpu.memref_slice %arg6[%dma_start3A, %dma_start3A_8, %dma_start3A_9] : memref<79x2x128xi32, #tpu.memory_space<vmem>> -> memref<1x1x128xi32, #tpu.memory_space<vmem>>
    %dma_start3A_11 = tpu.memref_squeeze %dma_start3A_10 : memref<1x1x128xi32, #tpu.memory_space<vmem>> -> memref<128xi32, #tpu.memory_space<vmem>>
    %dma_start3A_12 = arith.constant 0 : i32
    %dma_start3A_13 = arith.constant 0 : i32
    %dma_start3A_14 = tpu.memref_slice %arg14[%dma_start3A_12, %dma_start3A_13] : memref<10112x16xf32, #tpu.memory_space<vmem_shared>> -> memref<10112x16xf32, #tpu.memory_space<vmem_shared>>
    tpu.enqueue_indirect_dma source(%dma_start3A_14 : memref<10112x16xf32, #tpu.memory_space<vmem_shared>>) target(%arg7 : memref<128x16xf32, #tpu.memory_space<vmem>>) offsets(%dma_start3A_11 : memref<128xi32, #tpu.memory_space<vmem>>) semaphore(%arg16 : memref<!tpu.dma_semaphore, #tpu.memory_space<semaphore_mem>>)
    %dma_start3A_15 = arith.constant 1 : i32
    %dma_start3A_16 = arith.constant 0 : i32
    %dma_start3A_17 = arith.constant 0 : i32
    %dma_start3A_18 = tpu.memref_slice %arg6[%dma_start3A_15, %dma_start3A_16, %dma_start3A_17] : memref<79x2x128xi32, #tpu.memory_space<vmem>> -> memref<1x1x128xi32, #tpu.memory_space<vmem>>
    %dma_start3A_19 = tpu.memref_squeeze %dma_start3A_18 : memref<1x1x128xi32, #tpu.memory_space<vmem>> -> memref<128xi32, #tpu.memory_space<vmem>>
    %dma_start3A_20 = arith.constant 0 : i32
    %dma_start3A_21 = arith.constant 0 : i32
    %dma_start3A_22 = tpu.memref_slice %arg14[%dma_start3A_20, %dma_start3A_21] : memref<10112x16xf32, #tpu.memory_space<vmem_shared>> -> memref<10112x16xf32, #tpu.memory_space<vmem_shared>>
    tpu.enqueue_indirect_dma source(%dma_start3A_22 : memref<10112x16xf32, #tpu.memory_space<vmem_shared>>) target(%arg8 : memref<128x16xf32, #tpu.memory_space<vmem>>) offsets(%dma_start3A_19 : memref<128xi32, #tpu.memory_space<vmem>>) semaphore(%arg17 : memref<!tpu.dma_semaphore, #tpu.memory_space<semaphore_mem>>)
    %dma_start3A_23 = arith.constant 2 : i32
    %dma_start3A_24 = arith.constant 0 : i32
    %dma_start3A_25 = arith.constant 0 : i32
    %dma_start3A_26 = tpu.memref_slice %arg6[%dma_start3A_23, %dma_start3A_24, %dma_start3A_25] : memref<79x2x128xi32, #tpu.memory_space<vmem>> -> memref<1x1x128xi32, #tpu.memory_space<vmem>>
    %dma_start3A_27 = tpu.memref_squeeze %dma_start3A_26 : memref<1x1x128xi32, #tpu.memory_space<vmem>> -> memref<128xi32, #tpu.memory_space<vmem>>
    %dma_start3A_28 = arith.constant 0 : i32
    %dma_start3A_29 = arith.constant 0 : i32
    %dma_start3A_30 = tpu.memref_slice %arg14[%dma_start3A_28, %dma_start3A_29] : memref<10112x16xf32, #tpu.memory_space<vmem_shared>> -> memref<10112x16xf32, #tpu.memory_space<vmem_shared>>
    tpu.enqueue_indirect_dma source(%dma_start3A_30 : memref<10112x16xf32, #tpu.memory_space<vmem_shared>>) target(%arg9 : memref<128x16xf32, #tpu.memory_space<vmem>>) offsets(%dma_start3A_27 : memref<128xi32, #tpu.memory_space<vmem>>) semaphore(%arg18 : memref<!tpu.dma_semaphore, #tpu.memory_space<semaphore_mem>>)
    %dma_start3A_31 = arith.constant 3 : i32
    %dma_start3A_32 = arith.constant 0 : i32
    %dma_start3A_33 = arith.constant 0 : i32
    %dma_start3A_34 = tpu.memref_slice %arg6[%dma_start3A_31, %dma_start3A_32, %dma_start3A_33] : memref<79x2x128xi32, #tpu.memory_space<vmem>> -> memref<1x1x128xi32, #tpu.memory_space<vmem>>
    %dma_start3A_35 = tpu.memref_squeeze %dma_start3A_34 : memref<1x1x128xi32, #tpu.memory_space<vmem>> -> memref<128xi32, #tpu.memory_space<vmem>>
    %dma_start3A_36 = arith.constant 0 : i32
    %dma_start3A_37 = arith.constant 0 : i32
    %dma_start3A_38 = tpu.memref_slice %arg14[%dma_start3A_36, %dma_start3A_37] : memref<10112x16xf32, #tpu.memory_space<vmem_shared>> -> memref<10112x16xf32, #tpu.memory_space<vmem_shared>>
    tpu.enqueue_indirect_dma source(%dma_start3A_38 : memref<10112x16xf32, #tpu.memory_space<vmem_shared>>) target(%arg10 : memref<128x16xf32, #tpu.memory_space<vmem>>) offsets(%dma_start3A_35 : memref<128xi32, #tpu.memory_space<vmem>>) semaphore(%arg19 : memref<!tpu.dma_semaphore, #tpu.memory_space<semaphore_mem>>)
    %dma_start3A_39 = arith.constant 4 : i32
    %dma_start3A_40 = arith.constant 0 : i32
    %dma_start3A_41 = arith.constant 0 : i32
    %dma_start3A_42 = tpu.memref_slice %arg6[%dma_start3A_39, %dma_start3A_40, %dma_start3A_41] : memref<79x2x128xi32, #tpu.memory_space<vmem>> -> memref<1x1x128xi32, #tpu.memory_space<vmem>>
    %dma_start3A_43 = tpu.memref_squeeze %dma_start3A_42 : memref<1x1x128xi32, #tpu.memory_space<vmem>> -> memref<128xi32, #tpu.memory_space<vmem>>
    %dma_start3A_44 = arith.constant 0 : i32
    %dma_start3A_45 = arith.constant 0 : i32
    %dma_start3A_46 = tpu.memref_slice %arg14[%dma_start3A_44, %dma_start3A_45] : memref<10112x16xf32, #tpu.memory_space<vmem_shared>> -> memref<10112x16xf32, #tpu.memory_space<vmem_shared>>
    tpu.enqueue_indirect_dma source(%dma_start3A_46 : memref<10112x16xf32, #tpu.memory_space<vmem_shared>>) target(%arg11 : memref<128x16xf32, #tpu.memory_space<vmem>>) offsets(%dma_start3A_43 : memref<128xi32, #tpu.memory_space<vmem>>) semaphore(%arg20 : memref<!tpu.dma_semaphore, #tpu.memory_space<semaphore_mem>>)
    %dma_start3A_47 = arith.constant 5 : i32
    %dma_start3A_48 = arith.constant 0 : i32
    %dma_start3A_49 = arith.constant 0 : i32
    %dma_start3A_50 = tpu.memref_slice %arg6[%dma_start3A_47, %dma_start3A_48, %dma_start3A_49] : memref<79x2x128xi32, #tpu.memory_space<vmem>> -> memref<1x1x128xi32, #tpu.memory_space<vmem>>
    %dma_start3A_51 = tpu.memref_squeeze %dma_start3A_50 : memref<1x1x128xi32, #tpu.memory_space<vmem>> -> memref<128xi32, #tpu.memory_space<vmem>>
    %dma_start3A_52 = arith.constant 0 : i32
    %dma_start3A_53 = arith.constant 0 : i32
    %dma_start3A_54 = tpu.memref_slice %arg14[%dma_start3A_52, %dma_start3A_53] : memref<10112x16xf32, #tpu.memory_space<vmem_shared>> -> memref<10112x16xf32, #tpu.memory_space<vmem_shared>>
    tpu.enqueue_indirect_dma source(%dma_start3A_54 : memref<10112x16xf32, #tpu.memory_space<vmem_shared>>) target(%arg12 : memref<128x16xf32, #tpu.memory_space<vmem>>) offsets(%dma_start3A_51 : memref<128xi32, #tpu.memory_space<vmem>>) semaphore(%arg21 : memref<!tpu.dma_semaphore, #tpu.memory_space<semaphore_mem>>)
    %scan3A = arith.constant 0 : i32
    %scan3A_55 = arith.constant 0 : i32
    %scan3A_56 = arith.constant 13 : i32
    %scan3A_57 = arith.addi %scan3A_55, %scan3A_56 : i32
    %scan3A_58 = arith.constant 1 : i32
    scf.for %scan3A_110 = %scan3A_55 to %scan3A_57 step %scan3A_58  : i32 {
      %mul3A_111 = arith.constant 6 : i32
      %mul3A_112 = arith.muli %scan3A_110, %mul3A_111 : i32
      %add3A_113 = arith.constant 0 : i32
      %add3A_114 = arith.addi %mul3A_112, %add3A_113 : i32
      %dma_wait3A_115 = arith.constant 0 : i32
      %dma_wait3A_116 = arith.constant 0 : i32
      %dma_wait3A_117 = tpu.memref_slice %arg6[%add3A_114, %dma_wait3A_115, %dma_wait3A_116] : memref<79x2x128xi32, #tpu.memory_space<vmem>> -> memref<1x1x128xi32, #tpu.memory_space<vmem>>
      %dma_wait3A_118 = tpu.memref_squeeze %dma_wait3A_117 : memref<1x1x128xi32, #tpu.memory_space<vmem>> -> memref<128xi32, #tpu.memory_space<vmem>>
      %dma_wait3A_119 = arith.constant 0 : i32
      %dma_wait3A_120 = arith.constant 0 : i32
      %dma_wait3A_121 = tpu.memref_slice %arg14[%dma_wait3A_119, %dma_wait3A_120] : memref<10112x16xf32, #tpu.memory_space<vmem_shared>> -> memref<10112x16xf32, #tpu.memory_space<vmem_shared>>
      tpu.wait_indirect_dma semaphore(%arg16 : memref<!tpu.dma_semaphore, #tpu.memory_space<semaphore_mem>>) src(%dma_wait3A_121 : memref<10112x16xf32, #tpu.memory_space<vmem_shared>>) dst(%arg7 : memref<128x16xf32, #tpu.memory_space<vmem>>)
      %dma_start3A_122 = arith.constant 1 : i32
      %dma_start3A_123 = arith.constant 0 : i32
      %dma_start3A_124 = tpu.memref_slice %arg6[%add3A_114, %dma_start3A_122, %dma_start3A_123] : memref<79x2x128xi32, #tpu.memory_space<vmem>> -> memref<1x1x128xi32, #tpu.memory_space<vmem>>
      %dma_start3A_125 = tpu.memref_squeeze %dma_start3A_124 : memref<1x1x128xi32, #tpu.memory_space<vmem>> -> memref<128xi32, #tpu.memory_space<vmem>>
      %dma_start3A_126 = arith.constant 0 : i32
      %dma_start3A_127 = arith.constant 0 : i32
      %dma_start3A_128 = tpu.memref_slice %arg15[%dma_start3A_126, %dma_start3A_127] : memref<10112x16xf32, #tpu.memory_space<vmem_shared>> -> memref<10112x16xf32, #tpu.memory_space<vmem_shared>>
      tpu.enqueue_indirect_dma source(%arg7 : memref<128x16xf32, #tpu.memory_space<vmem>>) target(%dma_start3A_128 : memref<10112x16xf32, #tpu.memory_space<vmem_shared>>) offsets(%dma_start3A_125 : memref<128xi32, #tpu.memory_space<vmem>>) semaphore(%arg22 : memref<!tpu.dma_semaphore, #tpu.memory_space<semaphore_mem>>) {add = true}
      %sub3A_129 = arith.constant 1 : i32
      %sub3A_130 = arith.subi %add3A_114, %sub3A_129 : i32
      %ge3A_131 = arith.constant 0 : i32
      %ge3A_132 = arith.cmpi sge, %sub3A_130, %ge3A_131 : i32
      %add3A_133 = arith.constant 6 : i32
      %add3A_134 = arith.addi %sub3A_130, %add3A_133 : i32
      %lt3A = arith.constant 78 : i32
      %lt3A_135 = arith.cmpi slt, %add3A_134, %lt3A : i32
      %and3A = arith.andi %ge3A_132, %lt3A_135 : i1
      %convert_element_type3A_136 = arith.extui %and3A : i1 to i32
      %cond3A_137 = arith.constant 0 : i32
      %cond3A_138 = arith.cmpi ne, %convert_element_type3A_136, %cond3A_137 : i32
      scf.if %cond3A_138 {
        %dma_wait3A_289 = arith.constant 0 : i32
        %dma_wait3A_290 = arith.constant 1 : i32
        %dma_wait3A_291 = arith.constant 0 : i32
        %dma_wait3A_292 = tpu.memref_slice %arg6[%dma_wait3A_289, %dma_wait3A_290, %dma_wait3A_291] : memref<79x2x128xi32, #tpu.memory_space<vmem>> -> memref<1x1x128xi32, #tpu.memory_space<vmem>>
        %dma_wait3A_293 = tpu.memref_squeeze %dma_wait3A_292 : memref<1x1x128xi32, #tpu.memory_space<vmem>> -> memref<128xi32, #tpu.memory_space<vmem>>
        %dma_wait3A_294 = arith.constant 0 : i32
        %dma_wait3A_295 = arith.constant 0 : i32
        %dma_wait3A_296 = tpu.memref_slice %arg15[%dma_wait3A_294, %dma_wait3A_295] : memref<10112x16xf32, #tpu.memory_space<vmem_shared>> -> memref<10112x16xf32, #tpu.memory_space<vmem_shared>>
        tpu.wait_indirect_dma semaphore(%arg27 : memref<!tpu.dma_semaphore, #tpu.memory_space<semaphore_mem>>) src(%arg12 : memref<128x16xf32, #tpu.memory_space<vmem>>) dst(%dma_wait3A_296 : memref<10112x16xf32, #tpu.memory_space<vmem_shared>>)
        %add3A_297 = arith.constant 6 : i32
        %add3A_298 = arith.addi %sub3A_130, %add3A_297 : i32
        %dma_start3A_299 = arith.constant 0 : i32
        %dma_start3A_300 = arith.constant 0 : i32
        %dma_start3A_301 = tpu.memref_slice %arg6[%add3A_298, %dma_start3A_299, %dma_start3A_300] : memref<79x2x128xi32, #tpu.memory_space<vmem>> -> memref<1x1x128xi32, #tpu.memory_space<vmem>>
        %dma_start3A_302 = tpu.memref_squeeze %dma_start3A_301 : memref<1x1x128xi32, #tpu.memory_space<vmem>> -> memref<128xi32, #tpu.memory_space<vmem>>
        %dma_start3A_303 = arith.constant 0 : i32
        %dma_start3A_304 = arith.constant 0 : i32
        %dma_start3A_305 = tpu.memref_slice %arg14[%dma_start3A_303, %dma_start3A_304] : memref<10112x16xf32, #tpu.memory_space<vmem_shared>> -> memref<10112x16xf32, #tpu.memory_space<vmem_shared>>
        tpu.enqueue_indirect_dma source(%dma_start3A_305 : memref<10112x16xf32, #tpu.memory_space<vmem_shared>>) target(%arg12 : memref<128x16xf32, #tpu.memory_space<vmem>>) offsets(%dma_start3A_302 : memref<128xi32, #tpu.memory_space<vmem>>) semaphore(%arg21 : memref<!tpu.dma_semaphore, #tpu.memory_space<semaphore_mem>>)
      } else {
      }
      %mul3A_139 = arith.constant 6 : i32
      %mul3A_140 = arith.muli %scan3A_110, %mul3A_139 : i32
      %add3A_141 = arith.constant 1 : i32
      %add3A_142 = arith.addi %mul3A_140, %add3A_141 : i32
      %dma_wait3A_143 = arith.constant 0 : i32
      %dma_wait3A_144 = arith.constant 0 : i32
      %dma_wait3A_145 = tpu.memref_slice %arg6[%add3A_142, %dma_wait3A_143, %dma_wait3A_144] : memref<79x2x128xi32, #tpu.memory_space<vmem>> -> memref<1x1x128xi32, #tpu.memory_space<vmem>>
      %dma_wait3A_146 = tpu.memref_squeeze %dma_wait3A_145 : memref<1x1x128xi32, #tpu.memory_space<vmem>> -> memref<128xi32, #tpu.memory_space<vmem>>
      %dma_wait3A_147 = arith.constant 0 : i32
      %dma_wait3A_148 = arith.constant 0 : i32
      %dma_wait3A_149 = tpu.memref_slice %arg14[%dma_wait3A_147, %dma_wait3A_148] : memref<10112x16xf32, #tpu.memory_space<vmem_shared>> -> memref<10112x16xf32, #tpu.memory_space<vmem_shared>>
      tpu.wait_indirect_dma semaphore(%arg17 : memref<!tpu.dma_semaphore, #tpu.memory_space<semaphore_mem>>) src(%dma_wait3A_149 : memref<10112x16xf32, #tpu.memory_space<vmem_shared>>) dst(%arg8 : memref<128x16xf32, #tpu.memory_space<vmem>>)
      %dma_start3A_150 = arith.constant 1 : i32
      %dma_start3A_151 = arith.constant 0 : i32
      %dma_start3A_152 = tpu.memref_slice %arg6[%add3A_142, %dma_start3A_150, %dma_start3A_151] : memref<79x2x128xi32, #tpu.memory_space<vmem>> -> memref<1x1x128xi32, #tpu.memory_space<vmem>>
      %dma_start3A_153 = tpu.memref_squeeze %dma_start3A_152 : memref<1x1x128xi32, #tpu.memory_space<vmem>> -> memref<128xi32, #tpu.memory_space<vmem>>
      %dma_start3A_154 = arith.constant 0 : i32
      %dma_start3A_155 = arith.constant 0 : i32
      %dma_start3A_156 = tpu.memref_slice %arg15[%dma_start3A_154, %dma_start3A_155] : memref<10112x16xf32, #tpu.memory_space<vmem_shared>> -> memref<10112x16xf32, #tpu.memory_space<vmem_shared>>
      tpu.enqueue_indirect_dma source(%arg8 : memref<128x16xf32, #tpu.memory_space<vmem>>) target(%dma_start3A_156 : memref<10112x16xf32, #tpu.memory_space<vmem_shared>>) offsets(%dma_start3A_153 : memref<128xi32, #tpu.memory_space<vmem>>) semaphore(%arg23 : memref<!tpu.dma_semaphore, #tpu.memory_space<semaphore_mem>>) {add = true}
      %sub3A_157 = arith.constant 1 : i32
      %sub3A_158 = arith.subi %add3A_142, %sub3A_157 : i32
      %ge3A_159 = arith.constant 0 : i32
      %ge3A_160 = arith.cmpi sge, %sub3A_158, %ge3A_159 : i32
      %add3A_161 = arith.constant 6 : i32
      %add3A_162 = arith.addi %sub3A_158, %add3A_161 : i32
      %lt3A_163 = arith.constant 78 : i32
      %lt3A_164 = arith.cmpi slt, %add3A_162, %lt3A_163 : i32
      %and3A_165 = arith.andi %ge3A_160, %lt3A_164 : i1
      %convert_element_type3A_166 = arith.extui %and3A_165 : i1 to i32
      %cond3A_167 = arith.constant 0 : i32
      %cond3A_168 = arith.cmpi ne, %convert_element_type3A_166, %cond3A_167 : i32
      scf.if %cond3A_168 {
        %dma_wait3A_289 = arith.constant 0 : i32
        %dma_wait3A_290 = arith.constant 1 : i32
        %dma_wait3A_291 = arith.constant 0 : i32
        %dma_wait3A_292 = tpu.memref_slice %arg6[%dma_wait3A_289, %dma_wait3A_290, %dma_wait3A_291] : memref<79x2x128xi32, #tpu.memory_space<vmem>> -> memref<1x1x128xi32, #tpu.memory_space<vmem>>
        %dma_wait3A_293 = tpu.memref_squeeze %dma_wait3A_292 : memref<1x1x128xi32, #tpu.memory_space<vmem>> -> memref<128xi32, #tpu.memory_space<vmem>>
        %dma_wait3A_294 = arith.constant 0 : i32
        %dma_wait3A_295 = arith.constant 0 : i32
        %dma_wait3A_296 = tpu.memref_slice %arg15[%dma_wait3A_294, %dma_wait3A_295] : memref<10112x16xf32, #tpu.memory_space<vmem_shared>> -> memref<10112x16xf32, #tpu.memory_space<vmem_shared>>
        tpu.wait_indirect_dma semaphore(%arg22 : memref<!tpu.dma_semaphore, #tpu.memory_space<semaphore_mem>>) src(%arg7 : memref<128x16xf32, #tpu.memory_space<vmem>>) dst(%dma_wait3A_296 : memref<10112x16xf32, #tpu.memory_space<vmem_shared>>)
        %add3A_297 = arith.constant 6 : i32
        %add3A_298 = arith.addi %sub3A_158, %add3A_297 : i32
        %dma_start3A_299 = arith.constant 0 : i32
        %dma_start3A_300 = arith.constant 0 : i32
        %dma_start3A_301 = tpu.memref_slice %arg6[%add3A_298, %dma_start3A_299, %dma_start3A_300] : memref<79x2x128xi32, #tpu.memory_space<vmem>> -> memref<1x1x128xi32, #tpu.memory_space<vmem>>
        %dma_start3A_302 = tpu.memref_squeeze %dma_start3A_301 : memref<1x1x128xi32, #tpu.memory_space<vmem>> -> memref<128xi32, #tpu.memory_space<vmem>>
        %dma_start3A_303 = arith.constant 0 : i32
        %dma_start3A_304 = arith.constant 0 : i32
        %dma_start3A_305 = tpu.memref_slice %arg14[%dma_start3A_303, %dma_start3A_304] : memref<10112x16xf32, #tpu.memory_space<vmem_shared>> -> memref<10112x16xf32, #tpu.memory_space<vmem_shared>>
        tpu.enqueue_indirect_dma source(%dma_start3A_305 : memref<10112x16xf32, #tpu.memory_space<vmem_shared>>) target(%arg7 : memref<128x16xf32, #tpu.memory_space<vmem>>) offsets(%dma_start3A_302 : memref<128xi32, #tpu.memory_space<vmem>>) semaphore(%arg16 : memref<!tpu.dma_semaphore, #tpu.memory_space<semaphore_mem>>)
      } else {
      }
      %mul3A_169 = arith.constant 6 : i32
      %mul3A_170 = arith.muli %scan3A_110, %mul3A_169 : i32
      %add3A_171 = arith.constant 2 : i32
      %add3A_172 = arith.addi %mul3A_170, %add3A_171 : i32
      %dma_wait3A_173 = arith.constant 0 : i32
      %dma_wait3A_174 = arith.constant 0 : i32
      %dma_wait3A_175 = tpu.memref_slice %arg6[%add3A_172, %dma_wait3A_173, %dma_wait3A_174] : memref<79x2x128xi32, #tpu.memory_space<vmem>> -> memref<1x1x128xi32, #tpu.memory_space<vmem>>
      %dma_wait3A_176 = tpu.memref_squeeze %dma_wait3A_175 : memref<1x1x128xi32, #tpu.memory_space<vmem>> -> memref<128xi32, #tpu.memory_space<vmem>>
      %dma_wait3A_177 = arith.constant 0 : i32
      %dma_wait3A_178 = arith.constant 0 : i32
      %dma_wait3A_179 = tpu.memref_slice %arg14[%dma_wait3A_177, %dma_wait3A_178] : memref<10112x16xf32, #tpu.memory_space<vmem_shared>> -> memref<10112x16xf32, #tpu.memory_space<vmem_shared>>
      tpu.wait_indirect_dma semaphore(%arg18 : memref<!tpu.dma_semaphore, #tpu.memory_space<semaphore_mem>>) src(%dma_wait3A_179 : memref<10112x16xf32, #tpu.memory_space<vmem_shared>>) dst(%arg9 : memref<128x16xf32, #tpu.memory_space<vmem>>)
      %dma_start3A_180 = arith.constant 1 : i32
      %dma_start3A_181 = arith.constant 0 : i32
      %dma_start3A_182 = tpu.memref_slice %arg6[%add3A_172, %dma_start3A_180, %dma_start3A_181] : memref<79x2x128xi32, #tpu.memory_space<vmem>> -> memref<1x1x128xi32, #tpu.memory_space<vmem>>
      %dma_start3A_183 = tpu.memref_squeeze %dma_start3A_182 : memref<1x1x128xi32, #tpu.memory_space<vmem>> -> memref<128xi32, #tpu.memory_space<vmem>>
      %dma_start3A_184 = arith.constant 0 : i32
      %dma_start3A_185 = arith.constant 0 : i32
      %dma_start3A_186 = tpu.memref_slice %arg15[%dma_start3A_184, %dma_start3A_185] : memref<10112x16xf32, #tpu.memory_space<vmem_shared>> -> memref<10112x16xf32, #tpu.memory_space<vmem_shared>>
      tpu.enqueue_indirect_dma source(%arg9 : memref<128x16xf32, #tpu.memory_space<vmem>>) target(%dma_start3A_186 : memref<10112x16xf32, #tpu.memory_space<vmem_shared>>) offsets(%dma_start3A_183 : memref<128xi32, #tpu.memory_space<vmem>>) semaphore(%arg24 : memref<!tpu.dma_semaphore, #tpu.memory_space<semaphore_mem>>) {add = true}
      %sub3A_187 = arith.constant 1 : i32
      %sub3A_188 = arith.subi %add3A_172, %sub3A_187 : i32
      %ge3A_189 = arith.constant 0 : i32
      %ge3A_190 = arith.cmpi sge, %sub3A_188, %ge3A_189 : i32
      %add3A_191 = arith.constant 6 : i32
      %add3A_192 = arith.addi %sub3A_188, %add3A_191 : i32
      %lt3A_193 = arith.constant 78 : i32
      %lt3A_194 = arith.cmpi slt, %add3A_192, %lt3A_193 : i32
      %and3A_195 = arith.andi %ge3A_190, %lt3A_194 : i1
      %convert_element_type3A_196 = arith.extui %and3A_195 : i1 to i32
      %cond3A_197 = arith.constant 0 : i32
      %cond3A_198 = arith.cmpi ne, %convert_element_type3A_196, %cond3A_197 : i32
      scf.if %cond3A_198 {
        %dma_wait3A_289 = arith.constant 0 : i32
        %dma_wait3A_290 = arith.constant 1 : i32
        %dma_wait3A_291 = arith.constant 0 : i32
        %dma_wait3A_292 = tpu.memref_slice %arg6[%dma_wait3A_289, %dma_wait3A_290, %dma_wait3A_291] : memref<79x2x128xi32, #tpu.memory_space<vmem>> -> memref<1x1x128xi32, #tpu.memory_space<vmem>>
        %dma_wait3A_293 = tpu.memref_squeeze %dma_wait3A_292 : memref<1x1x128xi32, #tpu.memory_space<vmem>> -> memref<128xi32, #tpu.memory_space<vmem>>
        %dma_wait3A_294 = arith.constant 0 : i32
        %dma_wait3A_295 = arith.constant 0 : i32
        %dma_wait3A_296 = tpu.memref_slice %arg15[%dma_wait3A_294, %dma_wait3A_295] : memref<10112x16xf32, #tpu.memory_space<vmem_shared>> -> memref<10112x16xf32, #tpu.memory_space<vmem_shared>>
        tpu.wait_indirect_dma semaphore(%arg23 : memref<!tpu.dma_semaphore, #tpu.memory_space<semaphore_mem>>) src(%arg8 : memref<128x16xf32, #tpu.memory_space<vmem>>) dst(%dma_wait3A_296 : memref<10112x16xf32, #tpu.memory_space<vmem_shared>>)
        %add3A_297 = arith.constant 6 : i32
        %add3A_298 = arith.addi %sub3A_188, %add3A_297 : i32
        %dma_start3A_299 = arith.constant 0 : i32
        %dma_start3A_300 = arith.constant 0 : i32
        %dma_start3A_301 = tpu.memref_slice %arg6[%add3A_298, %dma_start3A_299, %dma_start3A_300] : memref<79x2x128xi32, #tpu.memory_space<vmem>> -> memref<1x1x128xi32, #tpu.memory_space<vmem>>
        %dma_start3A_302 = tpu.memref_squeeze %dma_start3A_301 : memref<1x1x128xi32, #tpu.memory_space<vmem>> -> memref<128xi32, #tpu.memory_space<vmem>>
        %dma_start3A_303 = arith.constant 0 : i32
        %dma_start3A_304 = arith.constant 0 : i32
        %dma_start3A_305 = tpu.memref_slice %arg14[%dma_start3A_303, %dma_start3A_304] : memref<10112x16xf32, #tpu.memory_space<vmem_shared>> -> memref<10112x16xf32, #tpu.memory_space<vmem_shared>>
        tpu.enqueue_indirect_dma source(%dma_start3A_305 : memref<10112x16xf32, #tpu.memory_space<vmem_shared>>) target(%arg8 : memref<128x16xf32, #tpu.memory_space<vmem>>) offsets(%dma_start3A_302 : memref<128xi32, #tpu.memory_space<vmem>>) semaphore(%arg17 : memref<!tpu.dma_semaphore, #tpu.memory_space<semaphore_mem>>)
      } else {
      }
      %mul3A_199 = arith.constant 6 : i32
      %mul3A_200 = arith.muli %scan3A_110, %mul3A_199 : i32
      %add3A_201 = arith.constant 3 : i32
      %add3A_202 = arith.addi %mul3A_200, %add3A_201 : i32
      %dma_wait3A_203 = arith.constant 0 : i32
      %dma_wait3A_204 = arith.constant 0 : i32
      %dma_wait3A_205 = tpu.memref_slice %arg6[%add3A_202, %dma_wait3A_203, %dma_wait3A_204] : memref<79x2x128xi32, #tpu.memory_space<vmem>> -> memref<1x1x128xi32, #tpu.memory_space<vmem>>
      %dma_wait3A_206 = tpu.memref_squeeze %dma_wait3A_205 : memref<1x1x128xi32, #tpu.memory_space<vmem>> -> memref<128xi32, #tpu.memory_space<vmem>>
      %dma_wait3A_207 = arith.constant 0 : i32
      %dma_wait3A_208 = arith.constant 0 : i32
      %dma_wait3A_209 = tpu.memref_slice %arg14[%dma_wait3A_207, %dma_wait3A_208] : memref<10112x16xf32, #tpu.memory_space<vmem_shared>> -> memref<10112x16xf32, #tpu.memory_space<vmem_shared>>
      tpu.wait_indirect_dma semaphore(%arg19 : memref<!tpu.dma_semaphore, #tpu.memory_space<semaphore_mem>>) src(%dma_wait3A_209 : memref<10112x16xf32, #tpu.memory_space<vmem_shared>>) dst(%arg10 : memref<128x16xf32, #tpu.memory_space<vmem>>)
      %dma_start3A_210 = arith.constant 1 : i32
      %dma_start3A_211 = arith.constant 0 : i32
      %dma_start3A_212 = tpu.memref_slice %arg6[%add3A_202, %dma_start3A_210, %dma_start3A_211] : memref<79x2x128xi32, #tpu.memory_space<vmem>> -> memref<1x1x128xi32, #tpu.memory_space<vmem>>
      %dma_start3A_213 = tpu.memref_squeeze %dma_start3A_212 : memref<1x1x128xi32, #tpu.memory_space<vmem>> -> memref<128xi32, #tpu.memory_space<vmem>>
      %dma_start3A_214 = arith.constant 0 : i32
      %dma_start3A_215 = arith.constant 0 : i32
      %dma_start3A_216 = tpu.memref_slice %arg15[%dma_start3A_214, %dma_start3A_215] : memref<10112x16xf32, #tpu.memory_space<vmem_shared>> -> memref<10112x16xf32, #tpu.memory_space<vmem_shared>>
      tpu.enqueue_indirect_dma source(%arg10 : memref<128x16xf32, #tpu.memory_space<vmem>>) target(%dma_start3A_216 : memref<10112x16xf32, #tpu.memory_space<vmem_shared>>) offsets(%dma_start3A_213 : memref<128xi32, #tpu.memory_space<vmem>>) semaphore(%arg25 : memref<!tpu.dma_semaphore, #tpu.memory_space<semaphore_mem>>) {add = true}
      %sub3A_217 = arith.constant 1 : i32
      %sub3A_218 = arith.subi %add3A_202, %sub3A_217 : i32
      %ge3A_219 = arith.constant 0 : i32
      %ge3A_220 = arith.cmpi sge, %sub3A_218, %ge3A_219 : i32
      %add3A_221 = arith.constant 6 : i32
      %add3A_222 = arith.addi %sub3A_218, %add3A_221 : i32
      %lt3A_223 = arith.constant 78 : i32
      %lt3A_224 = arith.cmpi slt, %add3A_222, %lt3A_223 : i32
      %and3A_225 = arith.andi %ge3A_220, %lt3A_224 : i1
      %convert_element_type3A_226 = arith.extui %and3A_225 : i1 to i32
      %cond3A_227 = arith.constant 0 : i32
      %cond3A_228 = arith.cmpi ne, %convert_element_type3A_226, %cond3A_227 : i32
      scf.if %cond3A_228 {
        %dma_wait3A_289 = arith.constant 0 : i32
        %dma_wait3A_290 = arith.constant 1 : i32
        %dma_wait3A_291 = arith.constant 0 : i32
        %dma_wait3A_292 = tpu.memref_slice %arg6[%dma_wait3A_289, %dma_wait3A_290, %dma_wait3A_291] : memref<79x2x128xi32, #tpu.memory_space<vmem>> -> memref<1x1x128xi32, #tpu.memory_space<vmem>>
        %dma_wait3A_293 = tpu.memref_squeeze %dma_wait3A_292 : memref<1x1x128xi32, #tpu.memory_space<vmem>> -> memref<128xi32, #tpu.memory_space<vmem>>
        %dma_wait3A_294 = arith.constant 0 : i32
        %dma_wait3A_295 = arith.constant 0 : i32
        %dma_wait3A_296 = tpu.memref_slice %arg15[%dma_wait3A_294, %dma_wait3A_295] : memref<10112x16xf32, #tpu.memory_space<vmem_shared>> -> memref<10112x16xf32, #tpu.memory_space<vmem_shared>>
        tpu.wait_indirect_dma semaphore(%arg24 : memref<!tpu.dma_semaphore, #tpu.memory_space<semaphore_mem>>) src(%arg9 : memref<128x16xf32, #tpu.memory_space<vmem>>) dst(%dma_wait3A_296 : memref<10112x16xf32, #tpu.memory_space<vmem_shared>>)
        %add3A_297 = arith.constant 6 : i32
        %add3A_298 = arith.addi %sub3A_218, %add3A_297 : i32
        %dma_start3A_299 = arith.constant 0 : i32
        %dma_start3A_300 = arith.constant 0 : i32
        %dma_start3A_301 = tpu.memref_slice %arg6[%add3A_298, %dma_start3A_299, %dma_start3A_300] : memref<79x2x128xi32, #tpu.memory_space<vmem>> -> memref<1x1x128xi32, #tpu.memory_space<vmem>>
        %dma_start3A_302 = tpu.memref_squeeze %dma_start3A_301 : memref<1x1x128xi32, #tpu.memory_space<vmem>> -> memref<128xi32, #tpu.memory_space<vmem>>
        %dma_start3A_303 = arith.constant 0 : i32
        %dma_start3A_304 = arith.constant 0 : i32
        %dma_start3A_305 = tpu.memref_slice %arg14[%dma_start3A_303, %dma_start3A_304] : memref<10112x16xf32, #tpu.memory_space<vmem_shared>> -> memref<10112x16xf32, #tpu.memory_space<vmem_shared>>
        tpu.enqueue_indirect_dma source(%dma_start3A_305 : memref<10112x16xf32, #tpu.memory_space<vmem_shared>>) target(%arg9 : memref<128x16xf32, #tpu.memory_space<vmem>>) offsets(%dma_start3A_302 : memref<128xi32, #tpu.memory_space<vmem>>) semaphore(%arg18 : memref<!tpu.dma_semaphore, #tpu.memory_space<semaphore_mem>>)
      } else {
      }
      %mul3A_229 = arith.constant 6 : i32
      %mul3A_230 = arith.muli %scan3A_110, %mul3A_229 : i32
      %add3A_231 = arith.constant 4 : i32
      %add3A_232 = arith.addi %mul3A_230, %add3A_231 : i32
      %dma_wait3A_233 = arith.constant 0 : i32
      %dma_wait3A_234 = arith.constant 0 : i32
      %dma_wait3A_235 = tpu.memref_slice %arg6[%add3A_232, %dma_wait3A_233, %dma_wait3A_234] : memref<79x2x128xi32, #tpu.memory_space<vmem>> -> memref<1x1x128xi32, #tpu.memory_space<vmem>>
      %dma_wait3A_236 = tpu.memref_squeeze %dma_wait3A_235 : memref<1x1x128xi32, #tpu.memory_space<vmem>> -> memref<128xi32, #tpu.memory_space<vmem>>
      %dma_wait3A_237 = arith.constant 0 : i32
      %dma_wait3A_238 = arith.constant 0 : i32
      %dma_wait3A_239 = tpu.memref_slice %arg14[%dma_wait3A_237, %dma_wait3A_238] : memref<10112x16xf32, #tpu.memory_space<vmem_shared>> -> memref<10112x16xf32, #tpu.memory_space<vmem_shared>>
      tpu.wait_indirect_dma semaphore(%arg20 : memref<!tpu.dma_semaphore, #tpu.memory_space<semaphore_mem>>) src(%dma_wait3A_239 : memref<10112x16xf32, #tpu.memory_space<vmem_shared>>) dst(%arg11 : memref<128x16xf32, #tpu.memory_space<vmem>>)
      %dma_start3A_240 = arith.constant 1 : i32
      %dma_start3A_241 = arith.constant 0 : i32
      %dma_start3A_242 = tpu.memref_slice %arg6[%add3A_232, %dma_start3A_240, %dma_start3A_241] : memref<79x2x128xi32, #tpu.memory_space<vmem>> -> memref<1x1x128xi32, #tpu.memory_space<vmem>>
      %dma_start3A_243 = tpu.memref_squeeze %dma_start3A_242 : memref<1x1x128xi32, #tpu.memory_space<vmem>> -> memref<128xi32, #tpu.memory_space<vmem>>
      %dma_start3A_244 = arith.constant 0 : i32
      %dma_start3A_245 = arith.constant 0 : i32
      %dma_start3A_246 = tpu.memref_slice %arg15[%dma_start3A_244, %dma_start3A_245] : memref<10112x16xf32, #tpu.memory_space<vmem_shared>> -> memref<10112x16xf32, #tpu.memory_space<vmem_shared>>
      tpu.enqueue_indirect_dma source(%arg11 : memref<128x16xf32, #tpu.memory_space<vmem>>) target(%dma_start3A_246 : memref<10112x16xf32, #tpu.memory_space<vmem_shared>>) offsets(%dma_start3A_243 : memref<128xi32, #tpu.memory_space<vmem>>) semaphore(%arg26 : memref<!tpu.dma_semaphore, #tpu.memory_space<semaphore_mem>>) {add = true}
      %sub3A_247 = arith.constant 1 : i32
      %sub3A_248 = arith.subi %add3A_232, %sub3A_247 : i32
      %ge3A_249 = arith.constant 0 : i32
      %ge3A_250 = arith.cmpi sge, %sub3A_248, %ge3A_249 : i32
      %add3A_251 = arith.constant 6 : i32
      %add3A_252 = arith.addi %sub3A_248, %add3A_251 : i32
      %lt3A_253 = arith.constant 78 : i32
      %lt3A_254 = arith.cmpi slt, %add3A_252, %lt3A_253 : i32
      %and3A_255 = arith.andi %ge3A_250, %lt3A_254 : i1
      %convert_element_type3A_256 = arith.extui %and3A_255 : i1 to i32
      %cond3A_257 = arith.constant 0 : i32
      %cond3A_258 = arith.cmpi ne, %convert_element_type3A_256, %cond3A_257 : i32
      scf.if %cond3A_258 {
        %dma_wait3A_289 = arith.constant 0 : i32
        %dma_wait3A_290 = arith.constant 1 : i32
        %dma_wait3A_291 = arith.constant 0 : i32
        %dma_wait3A_292 = tpu.memref_slice %arg6[%dma_wait3A_289, %dma_wait3A_290, %dma_wait3A_291] : memref<79x2x128xi32, #tpu.memory_space<vmem>> -> memref<1x1x128xi32, #tpu.memory_space<vmem>>
        %dma_wait3A_293 = tpu.memref_squeeze %dma_wait3A_292 : memref<1x1x128xi32, #tpu.memory_space<vmem>> -> memref<128xi32, #tpu.memory_space<vmem>>
        %dma_wait3A_294 = arith.constant 0 : i32
        %dma_wait3A_295 = arith.constant 0 : i32
        %dma_wait3A_296 = tpu.memref_slice %arg15[%dma_wait3A_294, %dma_wait3A_295] : memref<10112x16xf32, #tpu.memory_space<vmem_shared>> -> memref<10112x16xf32, #tpu.memory_space<vmem_shared>>
        tpu.wait_indirect_dma semaphore(%arg25 : memref<!tpu.dma_semaphore, #tpu.memory_space<semaphore_mem>>) src(%arg10 : memref<128x16xf32, #tpu.memory_space<vmem>>) dst(%dma_wait3A_296 : memref<10112x16xf32, #tpu.memory_space<vmem_shared>>)
        %add3A_297 = arith.constant 6 : i32
        %add3A_298 = arith.addi %sub3A_248, %add3A_297 : i32
        %dma_start3A_299 = arith.constant 0 : i32
        %dma_start3A_300 = arith.constant 0 : i32
        %dma_start3A_301 = tpu.memref_slice %arg6[%add3A_298, %dma_start3A_299, %dma_start3A_300] : memref<79x2x128xi32, #tpu.memory_space<vmem>> -> memref<1x1x128xi32, #tpu.memory_space<vmem>>
        %dma_start3A_302 = tpu.memref_squeeze %dma_start3A_301 : memref<1x1x128xi32, #tpu.memory_space<vmem>> -> memref<128xi32, #tpu.memory_space<vmem>>
        %dma_start3A_303 = arith.constant 0 : i32
        %dma_start3A_304 = arith.constant 0 : i32
        %dma_start3A_305 = tpu.memref_slice %arg14[%dma_start3A_303, %dma_start3A_304] : memref<10112x16xf32, #tpu.memory_space<vmem_shared>> -> memref<10112x16xf32, #tpu.memory_space<vmem_shared>>
        tpu.enqueue_indirect_dma source(%dma_start3A_305 : memref<10112x16xf32, #tpu.memory_space<vmem_shared>>) target(%arg10 : memref<128x16xf32, #tpu.memory_space<vmem>>) offsets(%dma_start3A_302 : memref<128xi32, #tpu.memory_space<vmem>>) semaphore(%arg19 : memref<!tpu.dma_semaphore, #tpu.memory_space<semaphore_mem>>)
      } else {
      }
      %mul3A_259 = arith.constant 6 : i32
      %mul3A_260 = arith.muli %scan3A_110, %mul3A_259 : i32
      %add3A_261 = arith.constant 5 : i32
      %add3A_262 = arith.addi %mul3A_260, %add3A_261 : i32
      %dma_wait3A_263 = arith.constant 0 : i32
      %dma_wait3A_264 = arith.constant 0 : i32
      %dma_wait3A_265 = tpu.memref_slice %arg6[%add3A_262, %dma_wait3A_263, %dma_wait3A_264] : memref<79x2x128xi32, #tpu.memory_space<vmem>> -> memref<1x1x128xi32, #tpu.memory_space<vmem>>
      %dma_wait3A_266 = tpu.memref_squeeze %dma_wait3A_265 : memref<1x1x128xi32, #tpu.memory_space<vmem>> -> memref<128xi32, #tpu.memory_space<vmem>>
      %dma_wait3A_267 = arith.constant 0 : i32
      %dma_wait3A_268 = arith.constant 0 : i32
      %dma_wait3A_269 = tpu.memref_slice %arg14[%dma_wait3A_267, %dma_wait3A_268] : memref<10112x16xf32, #tpu.memory_space<vmem_shared>> -> memref<10112x16xf32, #tpu.memory_space<vmem_shared>>
      tpu.wait_indirect_dma semaphore(%arg21 : memref<!tpu.dma_semaphore, #tpu.memory_space<semaphore_mem>>) src(%dma_wait3A_269 : memref<10112x16xf32, #tpu.memory_space<vmem_shared>>) dst(%arg12 : memref<128x16xf32, #tpu.memory_space<vmem>>)
      %dma_start3A_270 = arith.constant 1 : i32
      %dma_start3A_271 = arith.constant 0 : i32
      %dma_start3A_272 = tpu.memref_slice %arg6[%add3A_262, %dma_start3A_270, %dma_start3A_271] : memref<79x2x128xi32, #tpu.memory_space<vmem>> -> memref<1x1x128xi32, #tpu.memory_space<vmem>>
      %dma_start3A_273 = tpu.memref_squeeze %dma_start3A_272 : memref<1x1x128xi32, #tpu.memory_space<vmem>> -> memref<128xi32, #tpu.memory_space<vmem>>
      %dma_start3A_274 = arith.constant 0 : i32
      %dma_start3A_275 = arith.constant 0 : i32
      %dma_start3A_276 = tpu.memref_slice %arg15[%dma_start3A_274, %dma_start3A_275] : memref<10112x16xf32, #tpu.memory_space<vmem_shared>> -> memref<10112x16xf32, #tpu.memory_space<vmem_shared>>
      tpu.enqueue_indirect_dma source(%arg12 : memref<128x16xf32, #tpu.memory_space<vmem>>) target(%dma_start3A_276 : memref<10112x16xf32, #tpu.memory_space<vmem_shared>>) offsets(%dma_start3A_273 : memref<128xi32, #tpu.memory_space<vmem>>) semaphore(%arg27 : memref<!tpu.dma_semaphore, #tpu.memory_space<semaphore_mem>>) {add = true}
      %sub3A_277 = arith.constant 1 : i32
      %sub3A_278 = arith.subi %add3A_262, %sub3A_277 : i32
      %ge3A_279 = arith.constant 0 : i32
      %ge3A_280 = arith.cmpi sge, %sub3A_278, %ge3A_279 : i32
      %add3A_281 = arith.constant 6 : i32
      %add3A_282 = arith.addi %sub3A_278, %add3A_281 : i32
      %lt3A_283 = arith.constant 78 : i32
      %lt3A_284 = arith.cmpi slt, %add3A_282, %lt3A_283 : i32
      %and3A_285 = arith.andi %ge3A_280, %lt3A_284 : i1
      %convert_element_type3A_286 = arith.extui %and3A_285 : i1 to i32
      %cond3A_287 = arith.constant 0 : i32
      %cond3A_288 = arith.cmpi ne, %convert_element_type3A_286, %cond3A_287 : i32
      scf.if %cond3A_288 {
        %dma_wait3A_289 = arith.constant 0 : i32
        %dma_wait3A_290 = arith.constant 1 : i32
        %dma_wait3A_291 = arith.constant 0 : i32
        %dma_wait3A_292 = tpu.memref_slice %arg6[%dma_wait3A_289, %dma_wait3A_290, %dma_wait3A_291] : memref<79x2x128xi32, #tpu.memory_space<vmem>> -> memref<1x1x128xi32, #tpu.memory_space<vmem>>
        %dma_wait3A_293 = tpu.memref_squeeze %dma_wait3A_292 : memref<1x1x128xi32, #tpu.memory_space<vmem>> -> memref<128xi32, #tpu.memory_space<vmem>>
        %dma_wait3A_294 = arith.constant 0 : i32
        %dma_wait3A_295 = arith.constant 0 : i32
        %dma_wait3A_296 = tpu.memref_slice %arg15[%dma_wait3A_294, %dma_wait3A_295] : memref<10112x16xf32, #tpu.memory_space<vmem_shared>> -> memref<10112x16xf32, #tpu.memory_space<vmem_shared>>
        tpu.wait_indirect_dma semaphore(%arg26 : memref<!tpu.dma_semaphore, #tpu.memory_space<semaphore_mem>>) src(%arg11 : memref<128x16xf32, #tpu.memory_space<vmem>>) dst(%dma_wait3A_296 : memref<10112x16xf32, #tpu.memory_space<vmem_shared>>)
        %add3A_297 = arith.constant 6 : i32
        %add3A_298 = arith.addi %sub3A_278, %add3A_297 : i32
        %dma_start3A_299 = arith.constant 0 : i32
        %dma_start3A_300 = arith.constant 0 : i32
        %dma_start3A_301 = tpu.memref_slice %arg6[%add3A_298, %dma_start3A_299, %dma_start3A_300] : memref<79x2x128xi32, #tpu.memory_space<vmem>> -> memref<1x1x128xi32, #tpu.memory_space<vmem>>
        %dma_start3A_302 = tpu.memref_squeeze %dma_start3A_301 : memref<1x1x128xi32, #tpu.memory_space<vmem>> -> memref<128xi32, #tpu.memory_space<vmem>>
        %dma_start3A_303 = arith.constant 0 : i32
        %dma_start3A_304 = arith.constant 0 : i32
        %dma_start3A_305 = tpu.memref_slice %arg14[%dma_start3A_303, %dma_start3A_304] : memref<10112x16xf32, #tpu.memory_space<vmem_shared>> -> memref<10112x16xf32, #tpu.memory_space<vmem_shared>>
        tpu.enqueue_indirect_dma source(%dma_start3A_305 : memref<10112x16xf32, #tpu.memory_space<vmem_shared>>) target(%arg11 : memref<128x16xf32, #tpu.memory_space<vmem>>) offsets(%dma_start3A_302 : memref<128xi32, #tpu.memory_space<vmem>>) semaphore(%arg20 : memref<!tpu.dma_semaphore, #tpu.memory_space<semaphore_mem>>)
      } else {
      }
    }
    %scan3A_59 = arith.constant 13 : i32
    %dma_wait3A = arith.constant 0 : i32
    %dma_wait3A_60 = arith.constant 1 : i32
    %dma_wait3A_61 = arith.constant 0 : i32
    %dma_wait3A_62 = tpu.memref_slice %arg6[%dma_wait3A, %dma_wait3A_60, %dma_wait3A_61] : memref<79x2x128xi32, #tpu.memory_space<vmem>> -> memref<1x1x128xi32, #tpu.memory_space<vmem>>
    %dma_wait3A_63 = tpu.memref_squeeze %dma_wait3A_62 : memref<1x1x128xi32, #tpu.memory_space<vmem>> -> memref<128xi32, #tpu.memory_space<vmem>>
    %dma_wait3A_64 = arith.constant 0 : i32
    %dma_wait3A_65 = arith.constant 0 : i32
    %dma_wait3A_66 = tpu.memref_slice %arg15[%dma_wait3A_64, %dma_wait3A_65] : memref<10112x16xf32, #tpu.memory_space<vmem_shared>> -> memref<10112x16xf32, #tpu.memory_space<vmem_shared>>
    tpu.wait_indirect_dma semaphore(%arg22 : memref<!tpu.dma_semaphore, #tpu.memory_space<semaphore_mem>>) src(%arg7 : memref<128x16xf32, #tpu.memory_space<vmem>>) dst(%dma_wait3A_66 : memref<10112x16xf32, #tpu.memory_space<vmem_shared>>)
    %dma_wait3A_67 = arith.constant 0 : i32
    %dma_wait3A_68 = arith.constant 1 : i32
    %dma_wait3A_69 = arith.constant 0 : i32
    %dma_wait3A_70 = tpu.memref_slice %arg6[%dma_wait3A_67, %dma_wait3A_68, %dma_wait3A_69] : memref<79x2x128xi32, #tpu.memory_space<vmem>> -> memref<1x1x128xi32, #tpu.memory_space<vmem>>
    %dma_wait3A_71 = tpu.memref_squeeze %dma_wait3A_70 : memref<1x1x128xi32, #tpu.memory_space<vmem>> -> memref<128xi32, #tpu.memory_space<vmem>>
    %dma_wait3A_72 = arith.constant 0 : i32
    %dma_wait3A_73 = arith.constant 0 : i32
    %dma_wait3A_74 = tpu.memref_slice %arg15[%dma_wait3A_72, %dma_wait3A_73] : memref<10112x16xf32, #tpu.memory_space<vmem_shared>> -> memref<10112x16xf32, #tpu.memory_space<vmem_shared>>
    tpu.wait_indirect_dma semaphore(%arg23 : memref<!tpu.dma_semaphore, #tpu.memory_space<semaphore_mem>>) src(%arg8 : memref<128x16xf32, #tpu.memory_space<vmem>>) dst(%dma_wait3A_74 : memref<10112x16xf32, #tpu.memory_space<vmem_shared>>)
    %dma_wait3A_75 = arith.constant 0 : i32
    %dma_wait3A_76 = arith.constant 1 : i32
    %dma_wait3A_77 = arith.constant 0 : i32
    %dma_wait3A_78 = tpu.memref_slice %arg6[%dma_wait3A_75, %dma_wait3A_76, %dma_wait3A_77] : memref<79x2x128xi32, #tpu.memory_space<vmem>> -> memref<1x1x128xi32, #tpu.memory_space<vmem>>
    %dma_wait3A_79 = tpu.memref_squeeze %dma_wait3A_78 : memref<1x1x128xi32, #tpu.memory_space<vmem>> -> memref<128xi32, #tpu.memory_space<vmem>>
    %dma_wait3A_80 = arith.constant 0 : i32
    %dma_wait3A_81 = arith.constant 0 : i32
    %dma_wait3A_82 = tpu.memref_slice %arg15[%dma_wait3A_80, %dma_wait3A_81] : memref<10112x16xf32, #tpu.memory_space<vmem_shared>> -> memref<10112x16xf32, #tpu.memory_space<vmem_shared>>
    tpu.wait_indirect_dma semaphore(%arg24 : memref<!tpu.dma_semaphore, #tpu.memory_space<semaphore_mem>>) src(%arg9 : memref<128x16xf32, #tpu.memory_space<vmem>>) dst(%dma_wait3A_82 : memref<10112x16xf32, #tpu.memory_space<vmem_shared>>)
    %dma_wait3A_83 = arith.constant 0 : i32
    %dma_wait3A_84 = arith.constant 1 : i32
    %dma_wait3A_85 = arith.constant 0 : i32
    %dma_wait3A_86 = tpu.memref_slice %arg6[%dma_wait3A_83, %dma_wait3A_84, %dma_wait3A_85] : memref<79x2x128xi32, #tpu.memory_space<vmem>> -> memref<1x1x128xi32, #tpu.memory_space<vmem>>
    %dma_wait3A_87 = tpu.memref_squeeze %dma_wait3A_86 : memref<1x1x128xi32, #tpu.memory_space<vmem>> -> memref<128xi32, #tpu.memory_space<vmem>>
    %dma_wait3A_88 = arith.constant 0 : i32
    %dma_wait3A_89 = arith.constant 0 : i32
    %dma_wait3A_90 = tpu.memref_slice %arg15[%dma_wait3A_88, %dma_wait3A_89] : memref<10112x16xf32, #tpu.memory_space<vmem_shared>> -> memref<10112x16xf32, #tpu.memory_space<vmem_shared>>
    tpu.wait_indirect_dma semaphore(%arg25 : memref<!tpu.dma_semaphore, #tpu.memory_space<semaphore_mem>>) src(%arg10 : memref<128x16xf32, #tpu.memory_space<vmem>>) dst(%dma_wait3A_90 : memref<10112x16xf32, #tpu.memory_space<vmem_shared>>)
    %dma_wait3A_91 = arith.constant 0 : i32
    %dma_wait3A_92 = arith.constant 1 : i32
    %dma_wait3A_93 = arith.constant 0 : i32
    %dma_wait3A_94 = tpu.memref_slice %arg6[%dma_wait3A_91, %dma_wait3A_92, %dma_wait3A_93] : memref<79x2x128xi32, #tpu.memory_space<vmem>> -> memref<1x1x128xi32, #tpu.memory_space<vmem>>
    %dma_wait3A_95 = tpu.memref_squeeze %dma_wait3A_94 : memref<1x1x128xi32, #tpu.memory_space<vmem>> -> memref<128xi32, #tpu.memory_space<vmem>>
    %dma_wait3A_96 = arith.constant 0 : i32
    %dma_wait3A_97 = arith.constant 0 : i32
    %dma_wait3A_98 = tpu.memref_slice %arg15[%dma_wait3A_96, %dma_wait3A_97] : memref<10112x16xf32, #tpu.memory_space<vmem_shared>> -> memref<10112x16xf32, #tpu.memory_space<vmem_shared>>
    tpu.wait_indirect_dma semaphore(%arg26 : memref<!tpu.dma_semaphore, #tpu.memory_space<semaphore_mem>>) src(%arg11 : memref<128x16xf32, #tpu.memory_space<vmem>>) dst(%dma_wait3A_98 : memref<10112x16xf32, #tpu.memory_space<vmem_shared>>)
    %dma_wait3A_99 = arith.constant 0 : i32
    %dma_wait3A_100 = arith.constant 1 : i32
    %dma_wait3A_101 = arith.constant 0 : i32
    %dma_wait3A_102 = tpu.memref_slice %arg6[%dma_wait3A_99, %dma_wait3A_100, %dma_wait3A_101] : memref<79x2x128xi32, #tpu.memory_space<vmem>> -> memref<1x1x128xi32, #tpu.memory_space<vmem>>
    %dma_wait3A_103 = tpu.memref_squeeze %dma_wait3A_102 : memref<1x1x128xi32, #tpu.memory_space<vmem>> -> memref<128xi32, #tpu.memory_space<vmem>>
    %dma_wait3A_104 = arith.constant 0 : i32
    %dma_wait3A_105 = arith.constant 0 : i32
    %dma_wait3A_106 = tpu.memref_slice %arg15[%dma_wait3A_104, %dma_wait3A_105] : memref<10112x16xf32, #tpu.memory_space<vmem_shared>> -> memref<10112x16xf32, #tpu.memory_space<vmem_shared>>
    tpu.wait_indirect_dma semaphore(%arg27 : memref<!tpu.dma_semaphore, #tpu.memory_space<semaphore_mem>>) src(%arg12 : memref<128x16xf32, #tpu.memory_space<vmem>>) dst(%dma_wait3A_106 : memref<10112x16xf32, #tpu.memory_space<vmem_shared>>)
    %ge3A = arith.constant 28 : i32
    %ge3A_107 = arith.cmpi sge, %add3A, %ge3A : i32
    %convert_element_type3A = arith.extui %ge3A_107 : i1 to i32
    %cond3A = arith.constant 0 : i32
    %cond3A_108 = arith.cmpi ne, %convert_element_type3A, %cond3A : i32
    scf.if %cond3A_108 {
      %dma_start3A_110 = arith.constant 78 : i32
      %dma_start3A_111 = arith.constant 0 : i32
      %dma_start3A_112 = arith.constant 0 : i32
      %dma_start3A_113 = tpu.memref_slice %arg6[%dma_start3A_110, %dma_start3A_111, %dma_start3A_112] : memref<79x2x128xi32, #tpu.memory_space<vmem>> -> memref<1x1x128xi32, #tpu.memory_space<vmem>>
      %dma_start3A_114 = tpu.memref_squeeze %dma_start3A_113 : memref<1x1x128xi32, #tpu.memory_space<vmem>> -> memref<128xi32, #tpu.memory_space<vmem>>
      %dma_start3A_115 = arith.constant 0 : i32
      %dma_start3A_116 = arith.constant 0 : i32
      %dma_start3A_117 = tpu.memref_slice %arg14[%dma_start3A_115, %dma_start3A_116] : memref<10112x16xf32, #tpu.memory_space<vmem_shared>> -> memref<10112x16xf32, #tpu.memory_space<vmem_shared>>
      tpu.enqueue_indirect_dma source(%dma_start3A_117 : memref<10112x16xf32, #tpu.memory_space<vmem_shared>>) target(%arg7 : memref<128x16xf32, #tpu.memory_space<vmem>>) offsets(%dma_start3A_114 : memref<128xi32, #tpu.memory_space<vmem>>) semaphore(%arg16 : memref<!tpu.dma_semaphore, #tpu.memory_space<semaphore_mem>>)
      %dma_wait3A_118 = arith.constant 78 : i32
      %dma_wait3A_119 = arith.constant 0 : i32
      %dma_wait3A_120 = arith.constant 0 : i32
      %dma_wait3A_121 = tpu.memref_slice %arg6[%dma_wait3A_118, %dma_wait3A_119, %dma_wait3A_120] : memref<79x2x128xi32, #tpu.memory_space<vmem>> -> memref<1x1x128xi32, #tpu.memory_space<vmem>>
      %dma_wait3A_122 = tpu.memref_squeeze %dma_wait3A_121 : memref<1x1x128xi32, #tpu.memory_space<vmem>> -> memref<128xi32, #tpu.memory_space<vmem>>
      %dma_wait3A_123 = arith.constant 0 : i32
      %dma_wait3A_124 = arith.constant 0 : i32
      %dma_wait3A_125 = tpu.memref_slice %arg14[%dma_wait3A_123, %dma_wait3A_124] : memref<10112x16xf32, #tpu.memory_space<vmem_shared>> -> memref<10112x16xf32, #tpu.memory_space<vmem_shared>>
      tpu.wait_indirect_dma semaphore(%arg16 : memref<!tpu.dma_semaphore, #tpu.memory_space<semaphore_mem>>) src(%dma_wait3A_125 : memref<10112x16xf32, #tpu.memory_space<vmem_shared>>) dst(%arg7 : memref<128x16xf32, #tpu.memory_space<vmem>>)
      %run_scoped3A = arith.constant 78 : i32
      %run_scoped3A_126 = arith.constant 1 : i32
      "tpu.region"() ({
        %run_scoped3A_127 = tpu.sem_alloc : memref<!tpu.dma_semaphore, #tpu.memory_space<semaphore_mem>>
        %dma_start3A_128 = arith.constant 0 : i32
        %dma_start3A_129 = tpu.memref_slice %arg6[%run_scoped3A, %run_scoped3A_126, %dma_start3A_128] : memref<79x2x128xi32, #tpu.memory_space<vmem>> -> memref<1x1x128xi32, #tpu.memory_space<vmem>>
        %dma_start3A_130 = tpu.memref_squeeze %dma_start3A_129 : memref<1x1x128xi32, #tpu.memory_space<vmem>> -> memref<128xi32, #tpu.memory_space<vmem>>
        %dma_start3A_131 = arith.constant 0 : i32
        %dma_start3A_132 = arith.constant 0 : i32
        %dma_start3A_133 = tpu.memref_slice %arg15[%dma_start3A_131, %dma_start3A_132] : memref<10112x16xf32, #tpu.memory_space<vmem_shared>> -> memref<10112x16xf32, #tpu.memory_space<vmem_shared>>
        tpu.enqueue_indirect_dma source(%arg7 : memref<128x16xf32, #tpu.memory_space<vmem>>) target(%dma_start3A_133 : memref<10112x16xf32, #tpu.memory_space<vmem_shared>>) offsets(%dma_start3A_130 : memref<128xi32, #tpu.memory_space<vmem>>) semaphore(%run_scoped3A_127 : memref<!tpu.dma_semaphore, #tpu.memory_space<semaphore_mem>>) {add = true}
        %dma_wait3A_134 = arith.constant 0 : i32
        %dma_wait3A_135 = tpu.memref_slice %arg6[%run_scoped3A, %run_scoped3A_126, %dma_wait3A_134] : memref<79x2x128xi32, #tpu.memory_space<vmem>> -> memref<1x1x128xi32, #tpu.memory_space<vmem>>
        %dma_wait3A_136 = tpu.memref_squeeze %dma_wait3A_135 : memref<1x1x128xi32, #tpu.memory_space<vmem>> -> memref<128xi32, #tpu.memory_space<vmem>>
        %dma_wait3A_137 = arith.constant 0 : i32
        %dma_wait3A_138 = arith.constant 0 : i32
        %dma_wait3A_139 = tpu.memref_slice %arg15[%dma_wait3A_137, %dma_wait3A_138] : memref<10112x16xf32, #tpu.memory_space<vmem_shared>> -> memref<10112x16xf32, #tpu.memory_space<vmem_shared>>
        tpu.wait_indirect_dma semaphore(%run_scoped3A_127 : memref<!tpu.dma_semaphore, #tpu.memory_space<semaphore_mem>>) src(%arg7 : memref<128x16xf32, #tpu.memory_space<vmem>>) dst(%dma_wait3A_139 : memref<10112x16xf32, #tpu.memory_space<vmem_shared>>)
        tpu.yield
      }) : () -> ()
    } else {
    }
    %barrier3A_109 = arith.constant 0 : index
    tpu.barrier barrier_id(%barrier3A_109)
    "tpu.region"() ({
      %run_scoped3A = tpu.sem_alloc : memref<!tpu.dma_semaphore, #tpu.memory_space<semaphore_mem>>
      %dma_start3A_110 = arith.constant 0 : i32
      %dma_start3A_111 = tpu.memref_slice %arg15[%mul3A_2, %dma_start3A_110] : memref<10112x16xf32, #tpu.memory_space<vmem_shared>> -> memref<632x16xf32, #tpu.memory_space<vmem_shared>>
      %dma_start3A_112 = arith.constant 0 : i32
      %dma_start3A_113 = tpu.memref_slice %arg15[%mul3A_2, %dma_start3A_112] : memref<10112x16xf32, #tpu.memory_space<vmem_shared>> -> memref<632x16xf32, #tpu.memory_space<vmem_shared>>
      tpu.enqueue_dma source(%dma_start3A_113 : memref<632x16xf32, #tpu.memory_space<vmem_shared>>) target(%arg13 : memref<632x16xf32, #tpu.memory_space<vmem>>) target_semaphore(%run_scoped3A : memref<!tpu.dma_semaphore, #tpu.memory_space<semaphore_mem>>)
      %dma_wait3A_114 = arith.constant 0 : i32
      %dma_wait3A_115 = tpu.memref_slice %arg15[%mul3A_2, %dma_wait3A_114] : memref<10112x16xf32, #tpu.memory_space<vmem_shared>> -> memref<632x16xf32, #tpu.memory_space<vmem_shared>>
      %dma_wait3A_116 = arith.constant 0 : i32
      %dma_wait3A_117 = tpu.memref_slice %arg15[%mul3A_2, %dma_wait3A_116] : memref<10112x16xf32, #tpu.memory_space<vmem_shared>> -> memref<632x16xf32, #tpu.memory_space<vmem_shared>>
      tpu.wait_dma2 semaphore(%run_scoped3A : memref<!tpu.dma_semaphore, #tpu.memory_space<semaphore_mem>>) src(%dma_wait3A_117 : memref<632x16xf32, #tpu.memory_space<vmem_shared>>) dst(%arg13 : memref<632x16xf32, #tpu.memory_space<vmem>>)
      tpu.yield
    }) : () -> ()
    "tpu.region"() ({
      %run_scoped3A = tpu.sem_alloc : memref<!tpu.dma_semaphore, #tpu.memory_space<semaphore_mem>>
      %dma_start3A_110 = arith.constant 0 : i32
      %dma_start3A_111 = tpu.memref_slice %arg5[%arg0, %mul3A_2, %dma_start3A_110] : memref<2x10112x16xf32, #tpu.memory_space<hbm>> -> memref<1x632x16xf32, #tpu.memory_space<hbm>>
      %dma_start3A_112 = tpu.memref_squeeze %dma_start3A_111 : memref<1x632x16xf32, #tpu.memory_space<hbm>> -> memref<632x16xf32, #tpu.memory_space<hbm>>
      %dma_start3A_113 = arith.constant 0 : i32
      %dma_start3A_114 = tpu.memref_slice %arg5[%arg0, %mul3A_2, %dma_start3A_113] : memref<2x10112x16xf32, #tpu.memory_space<hbm>> -> memref<1x632x16xf32, #tpu.memory_space<hbm>>
      %dma_start3A_115 = tpu.memref_squeeze %dma_start3A_114 : memref<1x632x16xf32, #tpu.memory_space<hbm>> -> memref<632x16xf32, #tpu.memory_space<hbm>>
      tpu.enqueue_dma source(%arg13 : memref<632x16xf32, #tpu.memory_space<vmem>>) target(%dma_start3A_115 : memref<632x16xf32, #tpu.memory_space<hbm>>) target_semaphore(%run_scoped3A : memref<!tpu.dma_semaphore, #tpu.memory_space<semaphore_mem>>)
      %dma_wait3A_116 = arith.constant 0 : i32
      %dma_wait3A_117 = tpu.memref_slice %arg5[%arg0, %mul3A_2, %dma_wait3A_116] : memref<2x10112x16xf32, #tpu.memory_space<hbm>> -> memref<1x632x16xf32, #tpu.memory_space<hbm>>
      %dma_wait3A_118 = tpu.memref_squeeze %dma_wait3A_117 : memref<1x632x16xf32, #tpu.memory_space<hbm>> -> memref<632x16xf32, #tpu.memory_space<hbm>>
      %dma_wait3A_119 = arith.constant 0 : i32
      %dma_wait3A_120 = tpu.memref_slice %arg5[%arg0, %mul3A_2, %dma_wait3A_119] : memref<2x10112x16xf32, #tpu.memory_space<hbm>> -> memref<1x632x16xf32, #tpu.memory_space<hbm>>
      %dma_wait3A_121 = tpu.memref_squeeze %dma_wait3A_120 : memref<1x632x16xf32, #tpu.memory_space<hbm>> -> memref<632x16xf32, #tpu.memory_space<hbm>>
      tpu.wait_dma2 semaphore(%run_scoped3A : memref<!tpu.dma_semaphore, #tpu.memory_space<semaphore_mem>>) src(%arg13 : memref<632x16xf32, #tpu.memory_space<vmem>>) dst(%dma_wait3A_121 : memref<632x16xf32, #tpu.memory_space<hbm>>)
      tpu.yield
    }) : () -> ()
    return
  }
}

module attributes {stable_mosaic.version = 14 : i64} {
  func.func @_dense_in_body(%arg0: i32, %arg1: memref<256x10000xf32, #tpu.memory_space<vmem>>, %arg2: memref<10000x64xf32, #tpu.memory_space<vmem>>, %arg3: memref<64x32xf32, #tpu.memory_space<vmem>>, %arg4: memref<112x3xf32, #tpu.memory_space<vmem>>, %arg5: memref<256x32xf32, #tpu.memory_space<vmem>>, %arg6: memref<256x3xf32, #tpu.memory_space<vmem>>) attributes {dimension_semantics = [#tpu.dimension_semantics<arbitrary>], iteration_bounds = array<i64: 40>, scalar_prefetch = 0 : i64, scratch_operands = 0 : i64, tpu.core_type = #tpu.core_type<tc>, window_params = [{transform_indices = @transform_0, window_bounds = array<i64: 256, 10000>}, {pipeline_mode = #tpu.pipeline_mode<synchronous>, transform_indices = @transform_1, window_bounds = array<i64: 10000, 64>}, {pipeline_mode = #tpu.pipeline_mode<synchronous>, transform_indices = @transform_2, window_bounds = array<i64: 64, 32>}, {pipeline_mode = #tpu.pipeline_mode<synchronous>, transform_indices = @transform_3, window_bounds = array<i64: 112, 3>}, {transform_indices = @transform_4, window_bounds = array<i64: 256, 32>}, {transform_indices = @transform_5, window_bounds = array<i64: 256, 3>}]} {
    %get3A = arith.constant 0 : index
    %get3A_0 = arith.constant 0 : index
    %get3A_1 = vector.load %arg1[%get3A, %get3A_0] : memref<256x10000xf32, #tpu.memory_space<vmem>>, vector<256x10000xf32>
    %get3A_2 = arith.constant 0 : index
    %get3A_3 = arith.constant 0 : index
    %get3A_4 = vector.load %arg2[%get3A_2, %get3A_3] : memref<10000x64xf32, #tpu.memory_space<vmem>>, vector<10000x64xf32>
    %dot_general3A = arith.constant dense<0.000000e+00> : vector<256x64xf32>
    %dot_general3A_5 = tpu.matmul %get3A_1, %get3A_4, %dot_general3A {dimension_numbers = #tpu.dot_dimension_numbers<[1], [0], [0], [1], [0, 0, 1, 1], [], []>, transpose_lhs_hint = false} : vector<256x10000xf32>, vector<10000x64xf32>, vector<256x64xf32> -> vector<256x64xf32>
    %get3A_6 = arith.constant 0 : index
    %get3A_7 = arith.constant 0 : index
    %get3A_8 = vector.load %arg3[%get3A_6, %get3A_7] : memref<64x32xf32, #tpu.memory_space<vmem>>, vector<64x32xf32>
    %dot_general3A_9 = arith.constant dense<0.000000e+00> : vector<256x32xf32>
    %dot_general3A_10 = tpu.matmul %dot_general3A_5, %get3A_8, %dot_general3A_9 {dimension_numbers = #tpu.dot_dimension_numbers<[1], [0], [0], [1], [0, 0, 1, 1], [], []>, transpose_lhs_hint = false} : vector<256x64xf32>, vector<64x32xf32>, vector<256x32xf32> -> vector<256x32xf32>
    %swap3A = arith.constant 0 : index
    %swap3A_11 = arith.constant 0 : index
    %swap3A_12 = vector.load %arg5[%swap3A, %swap3A_11] : memref<256x32xf32, #tpu.memory_space<vmem>>, vector<256x32xf32>
    tpu.vector_store %arg5[%swap3A, %swap3A_11], %dot_general3A_10 {strides = array<i32>} : memref<256x32xf32, #tpu.memory_space<vmem>>, vector<256x32xf32>,
    %get3A_13 = arith.constant 0 : index
    %get3A_14 = arith.constant 0 : index
    %get3A_15 = vector.load %arg4[%get3A_13, %get3A_14] : memref<112x3xf32, #tpu.memory_space<vmem>>, vector<64x3xf32>
    %dot_general3A_16 = arith.constant dense<0.000000e+00> : vector<256x3xf32>
    %dot_general3A_17 = tpu.matmul %dot_general3A_5, %get3A_15, %dot_general3A_16 {dimension_numbers = #tpu.dot_dimension_numbers<[1], [0], [0], [1], [0, 0, 1, 1], [], []>, transpose_lhs_hint = false} : vector<256x64xf32>, vector<64x3xf32>, vector<256x3xf32> -> vector<256x3xf32>
    %swap3A_18 = arith.constant 0 : index
    %swap3A_19 = arith.constant 0 : index
    %swap3A_20 = vector.load %arg6[%swap3A_18, %swap3A_19] : memref<256x3xf32, #tpu.memory_space<vmem>>, vector<256x3xf32>
    tpu.vector_store %arg6[%swap3A_18, %swap3A_19], %dot_general3A_17 {strides = array<i32>} : memref<256x3xf32, #tpu.memory_space<vmem>>, vector<256x3xf32>,
    return
  }
  func.func @transform_0(%arg0: i32) -> (i32, i32) {
    %c0_i32 = arith.constant 0 : i32
    %c0_i32_0 = arith.constant 0 : i32
    return %arg0, %c0_i32 : i32, i32
  }
  func.func @transform_1(%arg0: i32) -> (i32, i32) {
    %c0_i32 = arith.constant 0 : i32
    %c0_i32_0 = arith.constant 0 : i32
    %c0_i32_1 = arith.constant 0 : i32
    return %c0_i32, %c0_i32_0 : i32, i32
  }
  func.func @transform_2(%arg0: i32) -> (i32, i32) {
    %c0_i32 = arith.constant 0 : i32
    %c0_i32_0 = arith.constant 0 : i32
    %c0_i32_1 = arith.constant 0 : i32
    return %c0_i32, %c0_i32_0 : i32, i32
  }
  func.func @transform_3(%arg0: i32) -> (i32, i32) {
    %c0_i32 = arith.constant 0 : i32
    %c0_i32_0 = arith.constant 0 : i32
    %c0_i32_1 = arith.constant 0 : i32
    return %c0_i32, %c0_i32_0 : i32, i32
  }
  func.func @transform_4(%arg0: i32) -> (i32, i32) {
    %c0_i32 = arith.constant 0 : i32
    %c0_i32_0 = arith.constant 0 : i32
    return %arg0, %c0_i32 : i32, i32
  }
  func.func @transform_5(%arg0: i32) -> (i32, i32) {
    %c0_i32 = arith.constant 0 : i32
    %c0_i32_0 = arith.constant 0 : i32
    return %arg0, %c0_i32 : i32, i32
  }
}

module attributes {stable_mosaic.version = 14 : i64} {
  func.func @_mid_body(%arg0: i32, %arg1: memref<2x2528x32xf32, #tpu.memory_space<vmem>>, %arg2: memref<32x16xf32, #tpu.memory_space<vmem>>, %arg3: memref<2528x32xf32, #tpu.memory_space<vmem>>, %arg4: memref<2528x16xf32, #tpu.memory_space<vmem>>) attributes {dimension_semantics = [#tpu.dimension_semantics<arbitrary>], iteration_bounds = array<i64: 4>, scalar_prefetch = 0 : i64, scratch_operands = 0 : i64, tpu.core_type = #tpu.core_type<tc>, window_params = [{transform_indices = @transform_0, window_bounds = array<i64: 2, 2528, 32>}, {pipeline_mode = #tpu.pipeline_mode<synchronous>, transform_indices = @transform_1, window_bounds = array<i64: 32, 16>}, {transform_indices = @transform_2, window_bounds = array<i64: 2528, 32>}, {transform_indices = @transform_3, window_bounds = array<i64: 2528, 16>}]} {
    %get3A = arith.constant 0 : index
    %get3A_0 = arith.constant 0 : index
    %get3A_1 = arith.constant 0 : index
    %get3A_2 = vector.load %arg1[%get3A, %get3A_0, %get3A_1] : memref<2x2528x32xf32, #tpu.memory_space<vmem>>, vector<1x2528x32xf32>
    %get3A_3 = vector.shape_cast %get3A_2 : vector<1x2528x32xf32> to vector<2528x32xf32>
    %get3A_4 = arith.constant 1 : index
    %get3A_5 = arith.constant 0 : index
    %get3A_6 = arith.constant 0 : index
    %get3A_7 = vector.load %arg1[%get3A_4, %get3A_5, %get3A_6] : memref<2x2528x32xf32, #tpu.memory_space<vmem>>, vector<1x2528x32xf32>
    %get3A_8 = vector.shape_cast %get3A_7 : vector<1x2528x32xf32> to vector<2528x32xf32>
    %add3A = arith.addf %get3A_3, %get3A_8 : vector<2528x32xf32>
    %tanh3A = math.tanh %add3A : vector<2528x32xf32>
    %swap3A = arith.constant 0 : index
    %swap3A_9 = arith.constant 0 : index
    %swap3A_10 = vector.load %arg3[%swap3A, %swap3A_9] : memref<2528x32xf32, #tpu.memory_space<vmem>>, vector<2528x32xf32>
    tpu.vector_store %arg3[%swap3A, %swap3A_9], %tanh3A {strides = array<i32>} : memref<2528x32xf32, #tpu.memory_space<vmem>>, vector<2528x32xf32>,
    %get3A_11 = arith.constant 0 : index
    %get3A_12 = arith.constant 0 : index
    %get3A_13 = vector.load %arg2[%get3A_11, %get3A_12] : memref<32x16xf32, #tpu.memory_space<vmem>>, vector<32x16xf32>
    %dot_general3A = arith.constant dense<0.000000e+00> : vector<2528x16xf32>
    %dot_general3A_14 = tpu.matmul %tanh3A, %get3A_13, %dot_general3A {dimension_numbers = #tpu.dot_dimension_numbers<[1], [0], [0], [1], [0, 0, 1, 1], [], []>, transpose_lhs_hint = false} : vector<2528x32xf32>, vector<32x16xf32>, vector<2528x16xf32> -> vector<2528x16xf32>
    %swap3A_15 = arith.constant 0 : index
    %swap3A_16 = arith.constant 0 : index
    %swap3A_17 = vector.load %arg4[%swap3A_15, %swap3A_16] : memref<2528x16xf32, #tpu.memory_space<vmem>>, vector<2528x16xf32>
    tpu.vector_store %arg4[%swap3A_15, %swap3A_16], %dot_general3A_14 {strides = array<i32>} : memref<2528x16xf32, #tpu.memory_space<vmem>>, vector<2528x16xf32>,
    return
  }
  func.func @transform_0(%arg0: i32) -> (i32, i32, i32) {
    %c0_i32 = arith.constant 0 : i32
    %c0_i32_0 = arith.constant 0 : i32
    %c0_i32_1 = arith.constant 0 : i32
    return %c0_i32, %arg0, %c0_i32_0 : i32, i32, i32
  }
  func.func @transform_1(%arg0: i32) -> (i32, i32) {
    %c0_i32 = arith.constant 0 : i32
    %c0_i32_0 = arith.constant 0 : i32
    %c0_i32_1 = arith.constant 0 : i32
    return %c0_i32, %c0_i32_0 : i32, i32
  }
  func.func @transform_2(%arg0: i32) -> (i32, i32) {
    %c0_i32 = arith.constant 0 : i32
    %c0_i32_0 = arith.constant 0 : i32
    return %arg0, %c0_i32 : i32, i32
  }
  func.func @transform_3(%arg0: i32) -> (i32, i32) {
    %c0_i32 = arith.constant 0 : i32
    %c0_i32_0 = arith.constant 0 : i32
    return %arg0, %c0_i32 : i32, i32
  }
}

module attributes {stable_mosaic.version = 14 : i64} {
  func.func @_out_body(%arg0: i32, %arg1: memref<2528x3xf32, #tpu.memory_space<vmem>>, %arg2: memref<2528x32xf32, #tpu.memory_space<vmem>>, %arg3: memref<2x2528x16xf32, #tpu.memory_space<vmem>>, %arg4: memref<112x3xf32, #tpu.memory_space<vmem>>, %arg5: memref<2528x3xf32, #tpu.memory_space<vmem>>) attributes {dimension_semantics = [#tpu.dimension_semantics<arbitrary>], iteration_bounds = array<i64: 4>, scalar_prefetch = 0 : i64, scratch_operands = 0 : i64, tpu.core_type = #tpu.core_type<tc>, window_params = [{transform_indices = @transform_0, window_bounds = array<i64: 2528, 3>}, {transform_indices = @transform_1, window_bounds = array<i64: 2528, 32>}, {transform_indices = @transform_2, window_bounds = array<i64: 2, 2528, 16>}, {pipeline_mode = #tpu.pipeline_mode<synchronous>, transform_indices = @transform_3, window_bounds = array<i64: 112, 3>}, {transform_indices = @transform_4, window_bounds = array<i64: 2528, 3>}]} {
    %get3A = arith.constant 0 : index
    %get3A_0 = arith.constant 0 : index
    %get3A_1 = arith.constant 0 : index
    %get3A_2 = vector.load %arg3[%get3A, %get3A_0, %get3A_1] : memref<2x2528x16xf32, #tpu.memory_space<vmem>>, vector<1x2528x16xf32>
    %get3A_3 = vector.shape_cast %get3A_2 : vector<1x2528x16xf32> to vector<2528x16xf32>
    %get3A_4 = arith.constant 1 : index
    %get3A_5 = arith.constant 0 : index
    %get3A_6 = arith.constant 0 : index
    %get3A_7 = vector.load %arg3[%get3A_4, %get3A_5, %get3A_6] : memref<2x2528x16xf32, #tpu.memory_space<vmem>>, vector<1x2528x16xf32>
    %get3A_8 = vector.shape_cast %get3A_7 : vector<1x2528x16xf32> to vector<2528x16xf32>
    %add3A = arith.addf %get3A_3, %get3A_8 : vector<2528x16xf32>
    %get3A_9 = arith.constant 0 : index
    %get3A_10 = arith.constant 0 : index
    %get3A_11 = vector.load %arg1[%get3A_9, %get3A_10] : memref<2528x3xf32, #tpu.memory_space<vmem>>, vector<2528x3xf32>
    %get3A_12 = arith.constant 0 : index
    %get3A_13 = arith.constant 0 : index
    %get3A_14 = vector.load %arg2[%get3A_12, %get3A_13] : memref<2528x32xf32, #tpu.memory_space<vmem>>, vector<2528x32xf32>
    %get3A_15 = arith.constant 64 : index
    %get3A_16 = arith.constant 0 : index
    %get3A_17 = vector.load %arg4[%get3A_15, %get3A_16] : memref<112x3xf32, #tpu.memory_space<vmem>>, vector<32x3xf32>
    %dot_general3A = arith.constant dense<0.000000e+00> : vector<2528x3xf32>
    %dot_general3A_18 = tpu.matmul %get3A_14, %get3A_17, %dot_general3A {dimension_numbers = #tpu.dot_dimension_numbers<[1], [0], [0], [1], [0, 0, 1, 1], [], []>, transpose_lhs_hint = false} : vector<2528x32xf32>, vector<32x3xf32>, vector<2528x3xf32> -> vector<2528x3xf32>
    %add3A_19 = arith.addf %get3A_11, %dot_general3A_18 : vector<2528x3xf32>
    %get3A_20 = arith.constant 96 : index
    %get3A_21 = arith.constant 0 : index
    %get3A_22 = vector.load %arg4[%get3A_20, %get3A_21] : memref<112x3xf32, #tpu.memory_space<vmem>>, vector<16x3xf32>
    %dot_general3A_23 = arith.constant dense<0.000000e+00> : vector<2528x3xf32>
    %dot_general3A_24 = tpu.matmul %add3A, %get3A_22, %dot_general3A_23 {dimension_numbers = #tpu.dot_dimension_numbers<[1], [0], [0], [1], [0, 0, 1, 1], [], []>, transpose_lhs_hint = false} : vector<2528x16xf32>, vector<16x3xf32>, vector<2528x3xf32> -> vector<2528x3xf32>
    %add3A_25 = arith.addf %add3A_19, %dot_general3A_24 : vector<2528x3xf32>
    %swap3A = arith.constant 0 : index
    %swap3A_26 = arith.constant 0 : index
    %swap3A_27 = vector.load %arg5[%swap3A, %swap3A_26] : memref<2528x3xf32, #tpu.memory_space<vmem>>, vector<2528x3xf32>
    tpu.vector_store %arg5[%swap3A, %swap3A_26], %add3A_25 {strides = array<i32>} : memref<2528x3xf32, #tpu.memory_space<vmem>>, vector<2528x3xf32>,
    return
  }
  func.func @transform_0(%arg0: i32) -> (i32, i32) {
    %c0_i32 = arith.constant 0 : i32
    %c0_i32_0 = arith.constant 0 : i32
    return %arg0, %c0_i32 : i32, i32
  }
  func.func @transform_1(%arg0: i32) -> (i32, i32) {
    %c0_i32 = arith.constant 0 : i32
    %c0_i32_0 = arith.constant 0 : i32
    return %arg0, %c0_i32 : i32, i32
  }
  func.func @transform_2(%arg0: i32) -> (i32, i32, i32) {
    %c0_i32 = arith.constant 0 : i32
    %c0_i32_0 = arith.constant 0 : i32
    %c0_i32_1 = arith.constant 0 : i32
    return %c0_i32, %arg0, %c0_i32_0 : i32, i32, i32
  }
  func.func @transform_3(%arg0: i32) -> (i32, i32) {
    %c0_i32 = arith.constant 0 : i32
    %c0_i32_0 = arith.constant 0 : i32
    %c0_i32_1 = arith.constant 0 : i32
    return %c0_i32, %c0_i32_0 : i32, i32
  }
  func.func @transform_4(%arg0: i32) -> (i32, i32) {
    %c0_i32 = arith.constant 0 : i32
    %c0_i32_0 = arith.constant 0 : i32
    return %arg0, %c0_i32 : i32, i32
  }
}

</mosaic_0001>

<sc_bundles>
// kernel: kernel.10.cloned.1.call-start
scs
__scs_entry_jumppad:
0x0: {  	(pc) =	sbr.rel $0x88, $3  }
0x1: {  	(tag) =	ssettag $0x0;
	lr =	simm.s32 $0x1  }
0x2: {  	[smem:$0x3F9B] =	sst lr;
	_ =	strace $0xD0000000  }
0x3: {  	_ = 	snop  }
0x4: {  	_ = 	snop  }
0x5: {  	_ = 	snop  }
0x6: {  	_ = 	snop  }
0x7: {  	_ = 	snop  }
__scs_overlays_trampoline_lowered:
0x8: {  	[smem:$0x3FAA] =	sst s0  }
0x9: {  	[smem:$0x3FAB] =	sst s1  }
0xa: {  	[smem:$0x3FAC] =	sst s2  }
0xb: {  	[smem:$0x3FAD] =	sst s3  }
0xc: {  	[smem:$0x3FAE] =	sst s4  }
0xd: {  	[smem:$0x3FAF] =	sst s5  }
0xe: {  	[smem:$0x3FB0] =	sst s6  }
0xf: {  	[smem:$0x3FB1] =	sst s7  }
0x10: {  	[smem:$0x3FB2] =	sst s8  }
0x11: {  	[smem:$0x3FB3] =	sst s9;
	s0 =	simm.s32 @!p0 $0x0  }
0x12: {  	s1 =	sld [smem:$0x3F99];
	s0 =	simm.s32 @p0 $0x1  }
0x13: {  	[smem:$0x3FB4] =	sst s0;
	s0 =	simm.s32 @!p1 $0x0  }
0x14: {  	s2 =	sld [smem:$0x3F98];
	s0 =	simm.s32 @p1 $0x1  }
0x15: {  	[smem:$0x3FB5] =	sst s0;
	s0 =	simm.s32 @!p2 $0x0  }
0x16: {  	s3 =	sld [smem:$0x3FDB];
	s0 =	simm.s32 @p2 $0x1  }
0x17: {  	s4 =	simm.s32 $0x1BF5;
	[smem:$0x3FB7] =	sst s0  }
0x18: {  	s0 =	sld [smem:$0x3F9A];
	_ =	swait.ge [sflag:s4], $0x0  }
0x19: {  	s7 =	sld [smem:$0x3F9B]  }
0x1a: {  	s8 =	sadd.s32 $0xFFFFE003, lr  }
0x1b: {  	s9 =	sadd.s32 $0xFFFFFEF7, lr;
	s5 =	simm.s32 $0xFFFFFFFF;
	p2 =	slt.u32 s8, $0xFFFFF086  }
0x1c: {  	p1 =	slt.u32 s9, $0xF7A;
	s5 =	simm.s32 @!p2 $0x0  }
0x1d: {  	s5 =	simm.s32 @p1 $0x1;
	p0 =	seq.s32 s7, s2  }
0x1e: {  	s7 =	smul.u32 @!p0 $0xF7A, s2;
	p2 =	seq.s32 @!p0 s5, $0x0  }
0x1f: {  	s9 =	smul.u32 $0xF7A, s1;
	s8 =	simm.s32 @!p0 $0x1BF5;
	p2 =	por !p2, p0  }
0x20: {  	[sflag:s8] =	ssyncset.s32 @!p0 $0xFFFFF086;
	s6 =	sadd.s32 @!p0 s3, s7;
	s7 =	simm.s32 @!p0 $0x108  }
0x21: {  	s3 =	sadd.s32 s3, s9;
	s6 =	sadd.s32 @!p0 $0x88, s6;
	s7 =	simm.s32 @p2 $0x1082  }
0x22: {  	[simem:s7], [sflag:s8] =	dma.local @!p0 [hbm:s6], $0xF7A  }
0x23: {  	s9 =	sor.u32 $0xD0000000, s2;
	s6 =	simm.s32 $0x108;
	_ =	swait.ge @!p0 [sflag:s8], $0x0  }
0x24: {  	s3 =	sadd.s32 $0x88, s3;
	s6 =	simm.s32 @!p1 $0x1082;
	[sflag:s4] =	ssyncset.s32 $0xFFFFF086  }
0x25: {  	[simem:s6], [sflag:s4] =	dma.local [hbm:s3], $0xF7A  }
0x26: {  	[smem:$0x3F9B] =	sst s1;
	(tag) =	ssettag s2;
	_ =	strace s9  }
0x27: {  	s1 =	sld [smem:$0x3FAB]  }
0x28: {  	s2 =	sld [smem:$0x3FAC]  }
0x29: {  	s4 =	sld [smem:$0x3FAE]  }
0x2a: {  	p0 =	seq.s32 s5, $0x0;
	s5 =	sld [smem:$0x3FAF]  }
0x2b: {  	s6 =	sld [smem:$0x3FB0]  }
0x2c: {  	s7 =	sld [smem:$0x3FB1]  }
0x2d: {  	s3 =	simm.s32 $0x108;
	s8 =	sld [smem:$0x3FB2]  }
0x2e: {  	s3 =	simm.s32 @!p0 $0x1082;
	s9 =	sld [smem:$0x3FB3]  }
0x2f: {  	lr =	sadd.s32 s0, s3;
	s0 =	sld [smem:$0x3FAA]  }
0x30: {  	s3 =	sld [smem:$0x3FAD]  }
0x31: {  	[smem:$0x3FB6] =	sst s10  }
0x32: {  	s10 =	sld [smem:$0x3FB4];
	_ =	sdelay $0x3  }
0x33: {  	p0 =	seq.s32 s10, $0x1;
	s10 =	sld [smem:$0x3FB6];
	_ =	sdelay $0x3  }
0x34: {  	[smem:$0x3FB6] =	sst s10  }
0x35: {  	s10 =	sld [smem:$0x3FB5];
	_ =	sdelay $0x3  }
0x36: {  	p1 =	seq.s32 s10, $0x1;
	s10 =	sld [smem:$0x3FB6];
	_ =	sdelay $0x3  }
0x37: {  	[smem:$0x3FB6] =	sst s10  }
0x38: {  	s10 =	sld [smem:$0x3FB7]  }
0x39: {  	_ = 	snop;
	(pc) =	sbr.ind lr, $3  }
0x3a: {  	_ = 	snop  }
0x3b: {  	_ = 	snop  }
0x3c: {  	p2 =	seq.s32 s10, $0x1;
	s10 =	sld [smem:$0x3FB6]  }
0x3d: {  	_ =	shalt  }
0x3e: {  	_ =	shalt  }
0x3f: {  	_ =	shalt  }
0x40: {  	_ =	shalt  }
0x41: {  	_ =	shalt  }
0x42: {  	_ =	shalt  }
0x43: {  	_ =	shalt  }
0x44: {  	_ =	shalt  }
0x45: {  	_ =	shalt  }
0x46: {  	_ =	shalt  }
0x47: {  	_ =	shalt  }
0x48: {  	_ =	shalt  }
0x49: {  	_ =	shalt  }
0x4a: {  	_ =	shalt  }
0x4b: {  	_ =	shalt  }
0x4c: {  	_ =	shalt  }
0x4d: {  	_ =	shalt  }
0x4e: {  	_ =	shalt  }
0x4f: {  	_ =	shalt  }
0x50: {  	_ =	shalt  }
0x51: {  	_ =	shalt  }
0x52: {  	_ =	shalt  }
0x53: {  	_ =	shalt  }
0x54: {  	_ =	shalt  }
0x55: {  	_ =	shalt  }
0x56: {  	_ =	shalt  }
0x57: {  	_ =	shalt  }
0x58: {  	_ =	shalt  }
0x59: {  	_ =	shalt  }
0x5a: {  	_ =	shalt  }
0x5b: {  	_ =	shalt  }
0x5c: {  	_ =	shalt  }
0x5d: {  	_ =	shalt  }
0x5e: {  	_ =	shalt  }
0x5f: {  	_ =	shalt  }
0x60: {  	_ =	shalt  }
0x61: {  	_ =	shalt  }
0x62: {  	_ =	shalt  }
0x63: {  	_ =	shalt  }
0x64: {  	_ =	shalt  }
0x65: {  	_ =	shalt  }
0x66: {  	_ =	shalt  }
0x67: {  	_ =	shalt  }
0x68: {  	_ =	shalt  }
0x69: {  	_ =	shalt  }
0x6a: {  	_ =	shalt  }
0x6b: {  	_ =	shalt  }
0x6c: {  	_ =	shalt  }
0x6d: {  	_ =	shalt  }
0x6e: {  	_ =	shalt  }
0x6f: {  	_ =	shalt  }
0x70: {  	_ =	shalt  }
0x71: {  	_ =	shalt  }
0x72: {  	_ =	shalt  }
0x73: {  	_ =	shalt  }
0x74: {  	_ =	shalt  }
0x75: {  	_ =	shalt  }
0x76: {  	_ =	shalt  }
0x77: {  	_ =	shalt  }
0x78: {  	_ =	shalt  }
0x79: {  	_ =	shalt  }
0x7a: {  	_ =	shalt  }
0x7b: {  	_ =	shalt  }
0x7c: {  	_ =	shalt  }
0x7d: {  	_ =	shalt  }
0x7e: {  	_ =	shalt  }
0x7f: {  	_ =	shalt  }
0x80: {  	_ =	shalt  }
0x81: {  	_ =	shalt  }
0x82: {  	_ =	shalt  }
0x83: {  	_ =	shalt  }
0x84: {  	_ =	shalt  }
0x85: {  	_ =	shalt  }
0x86: {  	_ =	shalt  }
0x87: {  	_ =	shalt  }
.Lfunc_end0:
.L_simem_size_0:
called_computation.1_lowered:
.L_overlay_start_0:
0x88: {  	s2 =	sld [smem:$0x3FD9]  }
0x89: {  	s3 =	sld [smem:$0x3FFE];
	_ =	sdelay $0x1  }
0x8a: {  	s1 =	srdreg.scid  }
0x8b: {  	s0 =	sand.u32 $0x1, s1  }
0x8c: {  	s17 =	sshll.u32 s0, $0xA;
	s2 =	sadd.s32 s3, s2  }
0x8d: {  	s2 =	sadd.s32 s2, s17  }
0x8e: {  	[smem:$0x3FC2] =	sst s2  }
0x8f: {  	_ = 	snop  }
0x90: {  	s2 =	sld [smem:$0x3FC8];
	(tm) =	ssettm $0x1  }
0x91: {  	s18 =	sld [smem:$0x3FFB];
	_ =	sdelay $0x3  }
0x92: {  	_ =	strace s18  }
0x93: {  	s3 =	sld [smem:$0x3FFC];
	_ =	sdelay $0x3  }
0x94: {  	_ =	strace s3  }
0x95: {  	s3 =	sld [smem:$0x3FFD];
	_ =	sdelay $0x3  }
0x96: {  	_ =	strace s3  }
0x97: {  	_ =	strace $0x8FFFFFFF  }
0x98: {  	s19 =	sld [smem:$0x3FDB];
	_ =	sdelay $0x1  }
0x99: {  	s4 =	simm.s32 $_scs_section_size  }
0x9a: {  	s5 =	simm.s32 $_size__tile_overlayer_lowered;
	s6 =	simm.s32 $_tile_overlayer_lowered  }
0x9b: {  	s22 =	simm.s32 $0x1BFF;
	s21 =	sshll.u32 s6, $0x1;
	s3 =	sadd.s32 s4, s19  }
0x9c: {  	s7 =	simm.s32 $0x0;
	s20 =	sshll.u32 s5, $0x1;
	s5 =	sadd.s32 s21, s3  }
0x9d: {  	[timem:s7], [sflag:s22] =	dma.local [hbm:s5], s20  }
0x9e: {  	_ =	swait.ge [sflag:s22], s20  }
0x9f: {  	s4 =	ssub.s32 $0x0, s20;
	[sflag:s22] =	ssyncset.done $0x0  }
0xa0: {  	[sflag:s22] =	ssyncadd.s32 s4;
	_ =	sdelay $0x1  }
0xa1: {  	s23 =	simm.s32 $0x1B8B  }
0xa2: {  	_ =	swait.ge [sflag:s23], $0x1  }
0xa3: {  	[sflag:s23] =	ssyncset.done $0x0  }
0xa4: {  	s25 =	simm.s32 $0x1B8E;
	s24 =	sld [smem:$0x3FFE];
	[sflag:s23] =	ssyncadd.s32 $0xFFFFFFFF  }
0xa5: {  	s26 =	simm.s32 $execute0_lowered;
	[smem:$0x3FD2] =	sst s25  }
0xa6: {  	s5 =	sshll.u32 s26, $0x1;
	_ =	strace $0x80000049;
	[dreg:$0x1] =	wrdreg $0xFFFFFFFF  }
0xa7: {  	s28 =	simm.s32 $_size_execute0_lowered;
	s3 =	sadd.s32 s3, s5;
	[dreg:$0x0] =	wrdreg $0x0  }
0xa8: {  	s5 =	sshll.u32 s28, $0x1;
	[dreg:$0x2] =	wrdreg s3  }
0xa9: {  	[dreg:$0x3] =	wrdreg s5  }
0xaa: {  	[dreg:$0x4] =	wrdreg $0xC0  }
0xab: {  	_ =	task [dreg:s7], $0x5FFFF  }
0xac: {  	[dreg:$0x1] =	wrdreg $0xFFFFFFFF  }
0xad: {  	[dreg:$0x0] =	wrdreg $0x60  }
0xae: {  	[dreg:$0x2] =	wrdreg s2  }
0xaf: {  	[dreg:$0x3] =	wrdreg s24  }
0xb0: {  	[dreg:$0x4] =	wrdreg $0xCE000  }
0xb1: {  	[dreg:$0x5] =	wrdreg $0xA6800  }
0xb2: {  	[dreg:$0x6] =	wrdreg $0x9  }
0xb3: {  	_ =	task.clear_ibuf [dreg:s7], $0x7FFFF;
	_ =	strace $0x90000049  }
0xb4: {  	s29 =	simm.s32 $0x9;
	_ =	strace $0x8000004B  }
0xb5: {  	_ =	swait.ge [sflag:s29], $0x1  }
0xb6: {  	[sflag:s29] =	ssyncadd.s32 $0xFFFFFFFF  }
0xb7: {  	_ =	strace $0x9000004B  }
0xb8: {  	_ =	sfence  }
0xb9: {  	s30 =	sld [smem:$0x0];
	_ =	sdelay $0x2  }
0xba: {  	s31 =	sshll.u32 s1, $0xD;
	s1 =	sshrl.u32 s1, $0x2  }
0xbb: {  	s3 =	sand.u32 $0x4000, s31;
	s1 =	sadd.s32 s1, s30  }
0xbc: {  	s0 =	sor.u32 s3, s0;
	s1 =	sshll.u32 s1, $0x11  }
0xbd: {  	s0 =	sor.u32 s1, s0  }
0xbe: {  	s0 =	sadd.s32 $0x8F2B, s0  }
0xbf: {  	[sflag:s0] =	ssyncadd.remote.s32 $0x1  }
0xc0: {  	_ =	sfence.sel $0xFFFF  }
0xc1: {  	[dreg:$0x0] =	wrdreg $0xFFFFFFFF;
	(pc) =	sbr.abs _section_cstart, $3  }
0xc2: {  	[dreg:$0x1] =	wrdreg $0xFFFFFFFF  }
0xc3: {  	_ =	task.clear_ibuf [dreg:s7], $0x2FFFF;
	_ =	strace $0x9FFFFFFF  }
0xc4: {  	(tm) =	ssettm $0x7FFFFFFF  }
0xc5: {  	_ =	shalt  }
tec
execute0_lowered:
.L_overlay_start_1:
0x0: {  	(tag) =	ssettag $0x1  }
0x1: {  	s0 =	rddreg [dreg:$0x0]  }
0x2: {  	s1 =	rddreg [dreg:$0x1]  }
0x3: {  	s2 =	rddreg [dreg:$0x2]  }
0x4: {  	s3 =	rddreg [dreg:$0x3]  }
0x5: {  	s11 =	stileid.u32;
	s5 =	srdreg.scid;
	s19 =	simm.s32 $0x0  }
0x6: {  	s12 =	simm.s32 $0x7F00;
	s13 =	simm.s32 $0xD;
	s14 =	simm.s32 $0x80  }
0x7: {  	s15 =	simm.s32 $0x4F00;
	s17 =	simm.s32 $0x5700;
	s21 =	simm.s32 $0x6700  }
0x8: {  	s28 =	simm.s32 $0x2;
	s30 =	simm.s32 $0x7;
	s16 =	simm.s32 $0x8  }
0x9: {  	s20 =	simm.s32 $0x4;
	s18 =	simm.s32 $0xA;
	s29 =	simm.s32 $0x6  }
0xa: {  	s22 =	simm.s32 $0xB;
	s7 =	smul.u32 $0x2780, s11;
	s5 =	sand.u32 $0x1, s5  }
0xb: {  	[smem:$0x7FF] =	sst s19;
	s8 =	sshll.u32 s11, $0x1;
	p0 =	slt.u32 s11, $0xE  }
0xc: {  	s6 =	smul.u32 $0x27800, s5;
	_ =	strace $0x8000004A;
	s8 =	sor.u32 s5, s8  }
0xd: {  	s5 =	ssub.s32 $0x2, s5;
	s9 =	sshrl.u32 s7, $0x3;
	s10 =	smul.u32 $0x4E, s8  }
0xe: {  	s8 =	smax.u32 s8, $0x1C;
	s23 =	sshrl.u32 s5, $0x1;
	s25 =	sadd.s32 s7, s3  }
0xf: {  	s9 =	sadd.s32 s9, s1;
	s6 =	sadd.s32 s7, s6;
	s5 =	ssub.s32 s5, s23  }
0x10: {  	[dreg:$0x7] =	wrdreg s25;
	s23 =	simm.s32 $0x6F00;
	s25 =	simm.s32 $0x7700  }
0x11: {  	s6 =	sshrl.u32 s6, $0x3;
	s8 =	sadd.s32 s10, s8;
	s24 =	sadd.s32 $0x6200, s9  }
0x12: {  	s4 =	sadd.s32 $0x1200, s9;
	s31 =	smax.u32 s5, $0x1;
	s5 =	simm.s32 $0x0  }
.Ltmp0:
0x13: {  	s1 =	sadd.s32 s6, s1;
	[dreg:$0x5] =	wrdreg s24;
	(pc) =	sbr.rel .LBB2_1-.Ltmp0, $4  }
0x14: {  	s8 =	sshll.u32 s8, $0x5;
	s6 =	sadd.s32 s7, s2;
	[dreg:$0x6] =	wrdreg s4  }
0x15: {  	[dreg:$0xa] =	wrdreg s31;
	s0 =	sadd.s32 s0, s8;
	s26 =	sadd.s32 $0xB200, s1  }
0x16: {  	s24 =	simm.s32 $0x9;
	s0 =	sadd.s32 $0xFFFFFC80, s0;
	[dreg:$0x9] =	wrdreg s26  }
0x17: {  	s1 =	simm.s32 $0xC;
	s26 =	simm.s32 $0x1;
	[dreg:$0x8] =	wrdreg s0  }
.LBB2_4:
0x18: {  	_ =	swait.ge [sflag:s30], $0x800  }
0x19: {  	[sflag:s30] =	ssyncset.done $0x0  }
0x1a: {  	[sflag:s30] =	ssyncadd.s32 $0xFFFFF800  }
0x1b: {  	_ =	swait.ge [sflag:s16], $0x800  }
0x1c: {  	[sflag:s16] =	ssyncset.done $0x0  }
0x1d: {  	[sflag:s16] =	ssyncadd.s32 $0xFFFFF800  }
0x1e: {  	_ =	swait.ge [sflag:s24], $0x800  }
0x1f: {  	[sflag:s24] =	ssyncset.done $0x0  }
0x20: {  	[sflag:s24] =	ssyncadd.s32 $0xFFFFF800  }
0x21: {  	_ =	swait.ge [sflag:s18], $0x800  }
0x22: {  	[sflag:s18] =	ssyncset.done $0x0  }
0x23: {  	[sflag:s18] =	ssyncadd.s32 $0xFFFFF800  }
0x24: {  	_ =	swait.ge [sflag:s22], $0x800  }
0x25: {  	[sflag:s22] =	ssyncset.done $0x0  }
0x26: {  	[sflag:s22] =	ssyncadd.s32 $0xFFFFF800  }
0x27: {  	_ =	swait.ge [sflag:s1], $0x800  }
0x28: {  	s0 =	simm.s32 @!p0 $0x80;
	[sflag:s1] =	ssyncset.done $0x0  }
0x29: {  	s6 =	simm.s32 @!p0 $0x4E00;
	s7 =	simm.s32 @!p0 $0x4F00;
	[sflag:s1] =	ssyncadd.s32 $0xFFFFF800  }
0x2a: {  	[tilespmem:s7], [sflag:$0x1] =	stream.indirect.gather @!p0 [spmem:s3], $0x10, s6, s0, $0xb8;
	[tilespmem:$0xF580] =	vst v63  }
0x2b: {  	s6 =	simm.s32 @!p0 $0x1  }
0x2c: {  	_ =	swait.ge @!p0 [sflag:s6], $0x800  }
0x2d: {  	[sflag:s6] =	ssyncset.done @!p0 $0x0  }
0x2e: {  	[sflag:s6] =	ssyncadd.s32 @!p0 $0xFFFFF800;
	s6 =	simm.s32 @!p0 $0x4E80  }
0x2f: {  	[spmem:s2] =	stream.indirect.scatter.add.f32 @!p0 [tilespmem:s7], [sflag:$0xD], $0x10, s6, s0, $0xb8;
	[tilespmem:$0xF580] =	vst v63  }
0x30: {  	s0 =	simm.s32 @!p0 $0xD  }
0x31: {  	_ =	swait.ge @!p0 [sflag:s0], $0x800  }
0x32: {  	[sflag:s0] =	ssyncset.done @!p0 $0x0  }
0x33: {  	[sflag:s0] =	ssyncadd.s32 @!p0 $0xFFFFF800  }
0x34: {  	[bflag:$0x0] =	sbarrier.arrive $0xFFFF  }
0x35: {  	[tilespmem:s12], [sflag:$0xD] =	stream.linear.gather [spmem:s4], $0x2780, $0x38;
	[tilespmem:$0xF580] =	vst v63  }
0x36: {  	_ =	swait.ge [sflag:s13], $0x2780  }
0x37: {  	[sflag:s13] =	ssyncset.done $0x0  }
0x38: {  	s19 =	simm.s32 $0x0;
	s11 =	rddreg [dreg:$0x9];
	[sflag:s13] =	ssyncadd.s32 $0xFFFFD880  }
0x39: {  	[hbm4b:s11+s19] =	stream.linear.scatter [tilespmem:s12], [sflag:$0xD], $0x2780, $0x38;
	[tilespmem:$0xF580] =	vst v63  }
0x3a: {  	_ =	swait.ge [sflag:s13], $0x2780  }
0x3b: {  	s5 =	sadd.s32 $0x1, s5;
	s31 =	rddreg [dreg:$0xa]  }
0x3c: {  	p1 =	sne.s32 s5, s31  }
.Ltmp1:
0x3d: {  	_ = 	snop;
	(pc) =	sbr.rel @!p1 .LBB2_5-.Ltmp1, $3  }
0x3e: {  	_ =	sdelay $0x1  }
0x3f: {  	[sflag:s13] =	ssyncset.done $0x0  }
0x40: {  	s6 =	smov.u32 s4;
	[sflag:s13] =	ssyncadd.s32 $0xFFFFD880  }
.LBB2_1:
0x41: {  	s0 =	rddreg [dreg:$0x5]  }
0x42: {  	[tilespmem:s12], [sflag:$0xD] =	stream.linear.gather [hbm4b:s0+s19], $0x2780, $0x38;
	[tilespmem:$0xF580] =	vst v63  }
0x43: {  	_ =	swait.ge [sflag:s13], $0x2780  }
0x44: {  	[sflag:s13] =	ssyncset.done $0x0  }
0x45: {  	[sflag:s13] =	ssyncadd.s32 $0xFFFFD880  }
0x46: {  	[spmem:s6] =	stream.linear.scatter [tilespmem:s12], [sflag:$0xD], $0x2780, $0x38;
	[tilespmem:$0xF580] =	vst v63  }
0x47: {  	_ =	swait.ge [sflag:s13], $0x2780  }
0x48: {  	[sflag:s13] =	ssyncset.done $0x0  }
0x49: {  	s8 =	rddreg [dreg:$0x6];
	[sflag:s13] =	ssyncadd.s32 $0xFFFFD880  }
0x4a: {  	[tilespmem:s12], [sflag:$0xD] =	stream.linear.gather [hbm4b:s8+s19], $0x2780, $0x38;
	[tilespmem:$0xF580] =	vst v63  }
0x4b: {  	_ =	swait.ge [sflag:s13], $0x2780  }
0x4c: {  	[sflag:s13] =	ssyncset.done $0x0  }
0x4d: {  	s9 =	rddreg [dreg:$0x7];
	[sflag:s13] =	ssyncadd.s32 $0xFFFFD880  }
0x4e: {  	[spmem:s9] =	stream.linear.scatter [tilespmem:s12], [sflag:$0xD], $0x2780, $0x38;
	[tilespmem:$0xF580] =	vst v63  }
0x4f: {  	_ =	swait.ge [sflag:s13], $0x2780  }
0x50: {  	[sflag:s13] =	ssyncset.done $0x0  }
0x51: {  	s10 =	rddreg [dreg:$0x8];
	[sflag:s13] =	ssyncadd.s32 $0xFFFFD880  }
0x52: {  	[tilespmem:s19], [sflag:$0xD] =	stream.linear.gather [hbm4b:s10+s19], $0x4F00, $0x38;
	[tilespmem:$0xF580] =	vst v63  }
0x53: {  	_ =	swait.ge [sflag:s13], $0x4F00  }
0x54: {  	[sflag:s13] =	ssyncset.done $0x0  }
0x55: {  	[sflag:s13] =	ssyncadd.s32 $0xFFFFB100  }
0x56: {  	[bflag:$0x0] =	sbarrier.arrive $0xFFFF  }
0x57: {  	[tilespmem:s15], [sflag:$0x1] =	stream.indirect.gather [spmem:s3], $0x10, s19, s14, $0xb8;
	[tilespmem:$0xF580] =	vst v63  }
0x58: {  	s11 =	simm.s32 $0x100  }
0x59: {  	[tilespmem:s17], [sflag:$0x2] =	stream.indirect.gather [spmem:s3], $0x10, s11, s14, $0xb8;
	[tilespmem:$0xF580] =	vst v63  }
0x5a: {  	s4 =	smov.u32 s6;
	s6 =	simm.s32 $0x5F00;
	s19 =	simm.s32 $0x200  }
0x5b: {  	[tilespmem:s6], [sflag:$0x3] =	stream.indirect.gather [spmem:s3], $0x10, s19, s14, $0xb8;
	[tilespmem:$0xF580] =	vst v63  }
0x5c: {  	s31 =	simm.s32 $0x300  }
0x5d: {  	[tilespmem:s21], [sflag:$0x4] =	stream.indirect.gather [spmem:s3], $0x10, s31, s14, $0xb8;
	[tilespmem:$0xF580] =	vst v63  }
0x5e: {  	s7 =	simm.s32 $0x400  }
0x5f: {  	[tilespmem:s23], [sflag:$0x5] =	stream.indirect.gather [spmem:s3], $0x10, s7, s14, $0xb8;
	[tilespmem:$0xF580] =	vst v63  }
0x60: {  	s8 =	simm.s32 $0x500  }
0x61: {  	[tilespmem:s25], [sflag:$0x6] =	stream.indirect.gather [spmem:s3], $0x10, s8, s14, $0xb8;
	[tilespmem:$0xF580] =	vst v63  }
0x62: {  	_ =	swait.ge [sflag:s26], $0x800  }
0x63: {  	[sflag:s26] =	ssyncset.done $0x0  }
0x64: {  	[sflag:s26] =	ssyncadd.s32 $0xFFFFF800  }
0x65: {  	[spmem:s2] =	stream.indirect.scatter.add.f32 [tilespmem:s15], [sflag:$0x7], $0x10, s14, s14, $0xb8;
	[tilespmem:$0xF580] =	vst v63  }
0x66: {  	_ =	swait.ge [sflag:s28], $0x800  }
0x67: {  	[sflag:s28] =	ssyncset.done $0x0  }
0x68: {  	s9 =	simm.s32 $0x180;
	[sflag:s28] =	ssyncadd.s32 $0xFFFFF800  }
0x69: {  	[spmem:s2] =	stream.indirect.scatter.add.f32 [tilespmem:s17], [sflag:$0x8], $0x10, s9, s14, $0xb8;
	[tilespmem:$0xF580] =	vst v63  }
0x6a: {  	_ =	swait.ge [sflag:s30], $0x800  }
0x6b: {  	[sflag:s30] =	ssyncset.done $0x0  }
0x6c: {  	s10 =	simm.s32 $0x600;
	s11 =	simm.s32 $0x3;
	[sflag:s30] =	ssyncadd.s32 $0xFFFFF800  }
0x6d: {  	[tilespmem:s15], [sflag:$0x1] =	stream.indirect.gather [spmem:s3], $0x10, s10, s14, $0xb8;
	[tilespmem:$0xF580] =	vst v63  }
0x6e: {  	_ =	swait.ge [sflag:s11], $0x800  }
0x6f: {  	[sflag:s11] =	ssyncset.done $0x0  }
0x70: {  	s19 =	simm.s32 $0x280;
	[sflag:s11] =	ssyncadd.s32 $0xFFFFF800  }
0x71: {  	[spmem:s2] =	stream.indirect.scatter.add.f32 [tilespmem:s6], [sflag:$0x9], $0x10, s19, s14, $0xb8;
	[tilespmem:$0xF580] =	vst v63  }
0x72: {  	_ =	swait.ge [sflag:s16], $0x800  }
0x73: {  	[sflag:s16] =	ssyncset.done $0x0  }
0x74: {  	s31 =	simm.s32 $0x700;
	[sflag:s16] =	ssyncadd.s32 $0xFFFFF800  }
0x75: {  	[tilespmem:s17], [sflag:$0x2] =	stream.indirect.gather [spmem:s3], $0x10, s31, s14, $0xb8;
	[tilespmem:$0xF580] =	vst v63  }
0x76: {  	_ =	swait.ge [sflag:s20], $0x800  }
0x77: {  	[sflag:s20] =	ssyncset.done $0x0  }
0x78: {  	s7 =	simm.s32 $0x380;
	[sflag:s20] =	ssyncadd.s32 $0xFFFFF800  }
0x79: {  	[spmem:s2] =	stream.indirect.scatter.add.f32 [tilespmem:s21], [sflag:$0xA], $0x10, s7, s14, $0xb8;
	[tilespmem:$0xF580] =	vst v63  }
0x7a: {  	_ =	swait.ge [sflag:s24], $0x800  }
0x7b: {  	[sflag:s24] =	ssyncset.done $0x0  }
0x7c: {  	s8 =	simm.s32 $0x800;
	s9 =	simm.s32 $0x5;
	[sflag:s24] =	ssyncadd.s32 $0xFFFFF800  }
0x7d: {  	[tilespmem:s6], [sflag:$0x3] =	stream.indirect.gather [spmem:s3], $0x10, s8, s14, $0xb8;
	[tilespmem:$0xF580] =	vst v63  }
0x7e: {  	_ =	swait.ge [sflag:s9], $0x800  }
0x7f: {  	[sflag:s9] =	ssyncset.done $0x0  }
0x80: {  	s10 =	simm.s32 $0x480;
	[sflag:s9] =	ssyncadd.s32 $0xFFFFF800  }
0x81: {  	[spmem:s2] =	stream.indirect.scatter.add.f32 [tilespmem:s23], [sflag:$0xB], $0x10, s10, s14, $0xb8;
	[tilespmem:$0xF580] =	vst v63  }
0x82: {  	_ =	swait.ge [sflag:s18], $0x800  }
0x83: {  	[sflag:s18] =	ssyncset.done $0x0  }
0x84: {  	s11 =	simm.s32 $0x900;
	[sflag:s18] =	ssyncadd.s32 $0xFFFFF800  }
0x85: {  	[tilespmem:s21], [sflag:$0x4] =	stream.indirect.gather [spmem:s3], $0x10, s11, s14, $0xb8;
	[tilespmem:$0xF580] =	vst v63  }
0x86: {  	_ =	swait.ge [sflag:s29], $0x800  }
0x87: {  	[sflag:s29] =	ssyncset.done $0x0  }
0x88: {  	s19 =	simm.s32 $0x580;
	[sflag:s29] =	ssyncadd.s32 $0xFFFFF800  }
0x89: {  	[spmem:s2] =	stream.indirect.scatter.add.f32 [tilespmem:s25], [sflag:$0xC], $0x10, s19, s14, $0xb8;
	[tilespmem:$0xF580] =	vst v63  }
0x8a: {  	_ =	swait.ge [sflag:s22], $0x800  }
0x8b: {  	[sflag:s22] =	ssyncset.done $0x0  }
0x8c: {  	s31 =	simm.s32 $0xA00;
	s7 =	simm.s32 $0x0;
	[sflag:s22] =	ssyncadd.s32 $0xFFFFF800  }
0x8d: {  	[tilespmem:s23], [sflag:$0x5] =	stream.indirect.gather [spmem:s3], $0x10, s31, s14, $0xb8;
	[tilespmem:$0xF580] =	vst v63  }
.LBB2_2:
0x8e: {  	_ =	swait.ge [sflag:s26], $0x800  }
0x8f: {  	s8 =	sshra.s32 s7, $0x2;
	[sflag:s26] =	ssyncset.done $0x0  }
0x90: {  	s9 =	sadd.s32 $0x680, s8;
	[sflag:s26] =	ssyncadd.s32 $0xFFFFF800  }
0x91: {  	[spmem:s2] =	stream.indirect.scatter.add.f32 [tilespmem:s15], [sflag:$0x7], $0x10, s9, s14, $0xb8;
	[tilespmem:$0xF580] =	vst v63  }
0x92: {  	_ =	swait.ge [sflag:s1], $0x800  }
0x93: {  	[sflag:s1] =	ssyncset.done $0x0  }
0x94: {  	s10 =	sadd.s32 $0xB00, s8;
	[sflag:s1] =	ssyncadd.s32 $0xFFFFF800  }
0x95: {  	[tilespmem:s25], [sflag:$0x6] =	stream.indirect.gather [spmem:s3], $0x10, s10, s14, $0xb8;
	[tilespmem:$0xF580] =	vst v63  }
0x96: {  	_ =	swait.ge [sflag:s28], $0x800  }
0x97: {  	p1 =	seq.s32 s7, $0x10800;
	[sflag:s28] =	ssyncset.done $0x0  }
0x98: {  	s11 =	sadd.s32 $0x780, s8;
	s9 =	simm.s32 @p1 $0x3;
	[sflag:s28] =	ssyncadd.s32 $0xFFFFF800  }
0x99: {  	[spmem:s2] =	stream.indirect.scatter.add.f32 [tilespmem:s17], [sflag:$0x8], $0x10, s11, s14, $0xb8;
	[tilespmem:$0xF580] =	vst v63  }
0x9a: {  	_ =	swait.ge @p1 [sflag:s9], $0x800  }
0x9b: {  	[sflag:s9] =	ssyncset.done @p1 $0x0  }
0x9c: {  	[sflag:s9] =	ssyncadd.s32 @p1 $0xFFFFF800;
	s9 =	sshra.s32 @p1 s7, $0x2  }
0x9d: {  	s19 =	simm.s32 @p1 $0x5F00;
	s11 =	simm.s32 @p1 $0x80;
	s10 =	sadd.s32 @p1 $0x880, s9  }
0x9e: {  	[spmem:s2] =	stream.indirect.scatter.add.f32 @p1 [tilespmem:s19], [sflag:$0x9], $0x10, s10, s11, $0xb8;
	[tilespmem:$0xF580] =	vst v63  }
0x9f: {  	s10 =	simm.s32 @!p1 $0x7  }
0xa0: {  	_ =	swait.ge @!p1 [sflag:s10], $0x800  }
0xa1: {  	[sflag:s10] =	ssyncset.done @!p1 $0x0  }
0xa2: {  	[sflag:s10] =	ssyncadd.s32 @!p1 $0xFFFFF800;
	s10 =	sshra.s32 @!p1 s7, $0x2  }
0xa3: {  	s0 =	simm.s32 @!p1 $0x80;
	s31 =	simm.s32 @!p1 $0x4F00;
	s19 =	sadd.s32 @!p1 $0xC00, s10  }
0xa4: {  	[tilespmem:s31], [sflag:$0x1] =	stream.indirect.gather @!p1 [spmem:s3], $0x10, s19, s0, $0xb8;
	[tilespmem:$0xF580] =	vst v63  }
0xa5: {  	s19 =	simm.s32 @!p1 $0x3  }
0xa6: {  	_ =	swait.ge @!p1 [sflag:s19], $0x800  }
0xa7: {  	[sflag:s19] =	ssyncset.done @!p1 $0x0  }
0xa8: {  	s31 =	simm.s32 @!p1 $0x5F00;
	[sflag:s19] =	ssyncadd.s32 @!p1 $0xFFFFF800;
	s19 =	sadd.s32 @!p1 $0x880, s10  }
0xa9: {  	[spmem:s2] =	stream.indirect.scatter.add.f32 @!p1 [tilespmem:s31], [sflag:$0x9], $0x10, s19, s0, $0xb8;
	[tilespmem:$0xF580] =	vst v63  }
0xaa: {  	s19 =	simm.s32 @!p1 $0x8  }
0xab: {  	_ =	swait.ge @!p1 [sflag:s19], $0x800  }
0xac: {  	[sflag:s19] =	ssyncset.done @!p1 $0x0  }
0xad: {  	s6 =	simm.s32 @!p1 $0x5700;
	[sflag:s19] =	ssyncadd.s32 @!p1 $0xFFFFF800;
	s19 =	sadd.s32 @!p1 $0xD00, s10  }
0xae: {  	[tilespmem:s6], [sflag:$0x2] =	stream.indirect.gather @!p1 [spmem:s3], $0x10, s19, s0, $0xb8;
	[tilespmem:$0xF580] =	vst v63  }
0xaf: {  	_ =	swait.ge [sflag:s20], $0x800  }
0xb0: {  	[sflag:s20] =	ssyncset.done $0x0  }
0xb1: {  	s19 =	sadd.s32 $0x980, s8;
	s6 =	simm.s32 @p1 $0x5;
	[sflag:s20] =	ssyncadd.s32 $0xFFFFF800  }
0xb2: {  	[spmem:s2] =	stream.indirect.scatter.add.f32 [tilespmem:s21], [sflag:$0xA], $0x10, s19, s14, $0xb8;
	[tilespmem:$0xF580] =	vst v63  }
0xb3: {  	_ =	swait.ge @p1 [sflag:s6], $0x800  }
0xb4: {  	[sflag:s6] =	ssyncset.done @p1 $0x0  }
0xb5: {  	[sflag:s6] =	ssyncadd.s32 @p1 $0xFFFFF800;
	s6 =	sadd.s32 @p1 $0xA80, s9;
	s9 =	simm.s32 @p1 $0x6F00  }
0xb6: {  	[spmem:s2] =	stream.indirect.scatter.add.f32 @p1 [tilespmem:s9], [sflag:$0xB], $0x10, s6, s11, $0xb8;
	[tilespmem:$0xF580] =	vst v63  }
0xb7: {  	s6 =	simm.s32 @!p1 $0x9  }
0xb8: {  	_ =	swait.ge @!p1 [sflag:s6], $0x800  }
0xb9: {  	[sflag:s6] =	ssyncset.done @!p1 $0x0  }
0xba: {  	[sflag:s6] =	ssyncadd.s32 @!p1 $0xFFFFF800;
	s6 =	sadd.s32 @!p1 $0xE00, s10  }
0xbb: {  	[tilespmem:s31], [sflag:$0x3] =	stream.indirect.gather @!p1 [spmem:s3], $0x10, s6, s0, $0xb8;
	[tilespmem:$0xF580] =	vst v63  }
0xbc: {  	s6 =	simm.s32 @!p1 $0x5  }
0xbd: {  	_ =	swait.ge @!p1 [sflag:s6], $0x800  }
0xbe: {  	[sflag:s6] =	ssyncset.done @!p1 $0x0  }
0xbf: {  	s9 =	simm.s32 @!p1 $0x6F00;
	[sflag:s6] =	ssyncadd.s32 @!p1 $0xFFFFF800;
	s6 =	sadd.s32 @!p1 $0xA80, s10  }
0xc0: {  	[spmem:s2] =	stream.indirect.scatter.add.f32 @!p1 [tilespmem:s9], [sflag:$0xB], $0x10, s6, s0, $0xb8;
	[tilespmem:$0xF580] =	vst v63  }
0xc1: {  	s6 =	simm.s32 @!p1 $0xA  }
0xc2: {  	_ =	swait.ge @!p1 [sflag:s6], $0x800  }
0xc3: {  	[sflag:s6] =	ssyncset.done @!p1 $0x0  }
0xc4: {  	s9 =	simm.s32 @!p1 $0x6700;
	[sflag:s6] =	ssyncadd.s32 @!p1 $0xFFFFF800;
	s6 =	sadd.s32 @!p1 $0xF00, s10  }
0xc5: {  	[tilespmem:s9], [sflag:$0x4] =	stream.indirect.gather @!p1 [spmem:s3], $0x10, s6, s0, $0xb8;
	[tilespmem:$0xF580] =	vst v63  }
.Ltmp2:
0xc6: {  	_ = 	snop;
	(pc) =	sbr.rel @p1 .LBB2_4-.Ltmp2, $4  }
0xc7: {  	_ =	swait.ge [sflag:s29], $0x800  }
0xc8: {  	[sflag:s29] =	ssyncset.done $0x0  }
0xc9: {  	s31 =	sadd.s32 $0xB80, s8;
	[sflag:s29] =	ssyncadd.s32 $0xFFFFF800  }
0xca: {  	[spmem:s2] =	stream.indirect.scatter.add.f32 [tilespmem:s25], [sflag:$0xC], $0x10, s31, s14, $0xb8;
	[tilespmem:$0xF580] =	vst v63  }
.Ltmp3:
0xcb: {  	(pc) =	sbr.rel .LBB2_2-.Ltmp3, $4  }
0xcc: {  	_ =	swait.ge [sflag:s22], $0x800  }
0xcd: {  	[sflag:s22] =	ssyncset.done $0x0  }
0xce: {  	s0 =	sadd.s32 $0x1000, s8;
	s7 =	sadd.s32 $0x1800, s7;
	[sflag:s22] =	ssyncadd.s32 $0xFFFFF800  }
0xcf: {  	[tilespmem:s23], [sflag:$0x5] =	stream.indirect.gather [spmem:s3], $0x10, s0, s14, $0xb8;
	[tilespmem:$0xF580] =	vst v63  }
.LBB2_5:
0xd0: {  	_ =	sfence.sel $0x180000  }
0xd1: {  	[bflag:$0x0] =	sbarrier.arrive $0xFFFF  }
0xd2: {  	_ =	strace $0x9000004A  }
0xd3: {  	s0 =	stileid.u32;
	[bflag:$0x2] =	sbarrier.arrive $0xFFFF  }
0xd4: {  	p0 =	sne.s32 s0, $0x0;
	s0 =	rddreg [dreg:$0x4]  }
0xd5: {  	s0 =	sadd.s32 @!p0 $0x100000, s0  }
0xd6: {  	[sflag:s0] =	ssyncadd.tile.s32 @!p0 $0x1;
	_ =	shalt  }
.Lfunc_end2:
_tile_overlayer_lowered:
.L_overlay_start_2:
0xd7: {  	(tag) =	ssettag $0x2  }
0xd8: {  	s0 =	rddreg [dreg:$0x0];
	s2 =	stileid.u32  }
0xd9: {  	s1 =	rddreg [dreg:$0x1];
	p0 =	sne.s32 s2, $0x0  }
0xda: {  	s3 =	rddreg [dreg:$0x2];
	[bflag:$0x3] =	sbarrier.arrive $0xFFFF;
	s2 =	simm.s32 @!p0 $0x1C0D  }
0xdb: {  	[timem:s3], [sflag:s2] =	dma.local @!p0 [hbm:s0], s1  }
0xdc: {  	s0 =	simm.s32 @!p0 $0xD  }
0xdd: {  	_ =	swait.ge @!p0 [sflag:s0], s1  }
0xde: {  	s1 =	ssub.s32 @!p0 $0x0, s1;
	[sflag:s0] =	ssyncset.done @!p0 $0x0  }
0xdf: {  	[sflag:s0] =	ssyncadd.s32 @!p0 s1  }
0xe0: {  	[bflag:$0x3] =	sbarrier.arrive $0xFFFF  }
0xe1: {  	_ =	shalt  }

// kernel: kernel.7.cloned.1.call-start
scs
__scs_entry_jumppad:
0x0: {  	(pc) =	sbr.rel $0x88, $3  }
0x1: {  	(tag) =	ssettag $0x0;
	lr =	simm.s32 $0x1  }
0x2: {  	[smem:$0x3F9B] =	sst lr;
	_ =	strace $0xD0000000  }
0x3: {  	_ = 	snop  }
0x4: {  	_ = 	snop  }
0x5: {  	_ = 	snop  }
0x6: {  	_ = 	snop  }
0x7: {  	_ = 	snop  }
__scs_overlays_trampoline_lowered:
0x8: {  	[smem:$0x3FAA] =	sst s0  }
0x9: {  	[smem:$0x3FAB] =	sst s1  }
0xa: {  	[smem:$0x3FAC] =	sst s2  }
0xb: {  	[smem:$0x3FAD] =	sst s3  }
0xc: {  	[smem:$0x3FAE] =	sst s4  }
0xd: {  	[smem:$0x3FAF] =	sst s5  }
0xe: {  	[smem:$0x3FB0] =	sst s6  }
0xf: {  	[smem:$0x3FB1] =	sst s7  }
0x10: {  	[smem:$0x3FB2] =	sst s8  }
0x11: {  	[smem:$0x3FB3] =	sst s9;
	s0 =	simm.s32 @!p0 $0x0  }
0x12: {  	s1 =	sld [smem:$0x3F99];
	s0 =	simm.s32 @p0 $0x1  }
0x13: {  	[smem:$0x3FB4] =	sst s0;
	s0 =	simm.s32 @!p1 $0x0  }
0x14: {  	s2 =	sld [smem:$0x3F98];
	s0 =	simm.s32 @p1 $0x1  }
0x15: {  	[smem:$0x3FB5] =	sst s0;
	s0 =	simm.s32 @!p2 $0x0  }
0x16: {  	s3 =	sld [smem:$0x3FDB];
	s0 =	simm.s32 @p2 $0x1  }
0x17: {  	s4 =	simm.s32 $0x1BF5;
	[smem:$0x3FB7] =	sst s0  }
0x18: {  	s0 =	sld [smem:$0x3F9A];
	_ =	swait.ge [sflag:s4], $0x0  }
0x19: {  	s7 =	sld [smem:$0x3F9B]  }
0x1a: {  	s8 =	sadd.s32 $0xFFFFE003, lr  }
0x1b: {  	s9 =	sadd.s32 $0xFFFFFEF7, lr;
	s5 =	simm.s32 $0xFFFFFFFF;
	p2 =	slt.u32 s8, $0xFFFFF086  }
0x1c: {  	p1 =	slt.u32 s9, $0xF7A;
	s5 =	simm.s32 @!p2 $0x0  }
0x1d: {  	s5 =	simm.s32 @p1 $0x1;
	p0 =	seq.s32 s7, s2  }
0x1e: {  	s7 =	smul.u32 @!p0 $0xF7A, s2;
	p2 =	seq.s32 @!p0 s5, $0x0  }
0x1f: {  	s9 =	smul.u32 $0xF7A, s1;
	s8 =	simm.s32 @!p0 $0x1BF5;
	p2 =	por !p2, p0  }
0x20: {  	[sflag:s8] =	ssyncset.s32 @!p0 $0xFFFFF086;
	s6 =	sadd.s32 @!p0 s3, s7;
	s7 =	simm.s32 @!p0 $0x108  }
0x21: {  	s3 =	sadd.s32 s3, s9;
	s6 =	sadd.s32 @!p0 $0x88, s6;
	s7 =	simm.s32 @p2 $0x1082  }
0x22: {  	[simem:s7], [sflag:s8] =	dma.local @!p0 [hbm:s6], $0xF7A  }
0x23: {  	s9 =	sor.u32 $0xD0000000, s2;
	s6 =	simm.s32 $0x108;
	_ =	swait.ge @!p0 [sflag:s8], $0x0  }
0x24: {  	s3 =	sadd.s32 $0x88, s3;
	s6 =	simm.s32 @!p1 $0x1082;
	[sflag:s4] =	ssyncset.s32 $0xFFFFF086  }
0x25: {  	[simem:s6], [sflag:s4] =	dma.local [hbm:s3], $0xF7A  }
0x26: {  	[smem:$0x3F9B] =	sst s1;
	(tag) =	ssettag s2;
	_ =	strace s9  }
0x27: {  	s1 =	sld [smem:$0x3FAB]  }
0x28: {  	s2 =	sld [smem:$0x3FAC]  }
0x29: {  	s4 =	sld [smem:$0x3FAE]  }
0x2a: {  	p0 =	seq.s32 s5, $0x0;
	s5 =	sld [smem:$0x3FAF]  }
0x2b: {  	s6 =	sld [smem:$0x3FB0]  }
0x2c: {  	s7 =	sld [smem:$0x3FB1]  }
0x2d: {  	s3 =	simm.s32 $0x108;
	s8 =	sld [smem:$0x3FB2]  }
0x2e: {  	s3 =	simm.s32 @!p0 $0x1082;
	s9 =	sld [smem:$0x3FB3]  }
0x2f: {  	lr =	sadd.s32 s0, s3;
	s0 =	sld [smem:$0x3FAA]  }
0x30: {  	s3 =	sld [smem:$0x3FAD]  }
0x31: {  	[smem:$0x3FB6] =	sst s10  }
0x32: {  	s10 =	sld [smem:$0x3FB4];
	_ =	sdelay $0x3  }
0x33: {  	p0 =	seq.s32 s10, $0x1;
	s10 =	sld [smem:$0x3FB6];
	_ =	sdelay $0x3  }
0x34: {  	[smem:$0x3FB6] =	sst s10  }
0x35: {  	s10 =	sld [smem:$0x3FB5];
	_ =	sdelay $0x3  }
0x36: {  	p1 =	seq.s32 s10, $0x1;
	s10 =	sld [smem:$0x3FB6];
	_ =	sdelay $0x3  }
0x37: {  	[smem:$0x3FB6] =	sst s10  }
0x38: {  	s10 =	sld [smem:$0x3FB7]  }
0x39: {  	_ = 	snop;
	(pc) =	sbr.ind lr, $3  }
0x3a: {  	_ = 	snop  }
0x3b: {  	_ = 	snop  }
0x3c: {  	p2 =	seq.s32 s10, $0x1;
	s10 =	sld [smem:$0x3FB6]  }
0x3d: {  	_ =	shalt  }
0x3e: {  	_ =	shalt  }
0x3f: {  	_ =	shalt  }
0x40: {  	_ =	shalt  }
0x41: {  	_ =	shalt  }
0x42: {  	_ =	shalt  }
0x43: {  	_ =	shalt  }
0x44: {  	_ =	shalt  }
0x45: {  	_ =	shalt  }
0x46: {  	_ =	shalt  }
0x47: {  	_ =	shalt  }
0x48: {  	_ =	shalt  }
0x49: {  	_ =	shalt  }
0x4a: {  	_ =	shalt  }
0x4b: {  	_ =	shalt  }
0x4c: {  	_ =	shalt  }
0x4d: {  	_ =	shalt  }
0x4e: {  	_ =	shalt  }
0x4f: {  	_ =	shalt  }
0x50: {  	_ =	shalt  }
0x51: {  	_ =	shalt  }
0x52: {  	_ =	shalt  }
0x53: {  	_ =	shalt  }
0x54: {  	_ =	shalt  }
0x55: {  	_ =	shalt  }
0x56: {  	_ =	shalt  }
0x57: {  	_ =	shalt  }
0x58: {  	_ =	shalt  }
0x59: {  	_ =	shalt  }
0x5a: {  	_ =	shalt  }
0x5b: {  	_ =	shalt  }
0x5c: {  	_ =	shalt  }
0x5d: {  	_ =	shalt  }
0x5e: {  	_ =	shalt  }
0x5f: {  	_ =	shalt  }
0x60: {  	_ =	shalt  }
0x61: {  	_ =	shalt  }
0x62: {  	_ =	shalt  }
0x63: {  	_ =	shalt  }
0x64: {  	_ =	shalt  }
0x65: {  	_ =	shalt  }
0x66: {  	_ =	shalt  }
0x67: {  	_ =	shalt  }
0x68: {  	_ =	shalt  }
0x69: {  	_ =	shalt  }
0x6a: {  	_ =	shalt  }
0x6b: {  	_ =	shalt  }
0x6c: {  	_ =	shalt  }
0x6d: {  	_ =	shalt  }
0x6e: {  	_ =	shalt  }
0x6f: {  	_ =	shalt  }
0x70: {  	_ =	shalt  }
0x71: {  	_ =	shalt  }
0x72: {  	_ =	shalt  }
0x73: {  	_ =	shalt  }
0x74: {  	_ =	shalt  }
0x75: {  	_ =	shalt  }
0x76: {  	_ =	shalt  }
0x77: {  	_ =	shalt  }
0x78: {  	_ =	shalt  }
0x79: {  	_ =	shalt  }
0x7a: {  	_ =	shalt  }
0x7b: {  	_ =	shalt  }
0x7c: {  	_ =	shalt  }
0x7d: {  	_ =	shalt  }
0x7e: {  	_ =	shalt  }
0x7f: {  	_ =	shalt  }
0x80: {  	_ =	shalt  }
0x81: {  	_ =	shalt  }
0x82: {  	_ =	shalt  }
0x83: {  	_ =	shalt  }
0x84: {  	_ =	shalt  }
0x85: {  	_ =	shalt  }
0x86: {  	_ =	shalt  }
0x87: {  	_ =	shalt  }
.Lfunc_end0:
.L_simem_size_0:
called_computation_lowered:
.L_overlay_start_0:
0x88: {  	s2 =	sld [smem:$0x3FD9]  }
0x89: {  	s3 =	sld [smem:$0x3FFE];
	_ =	sdelay $0x1  }
0x8a: {  	s1 =	srdreg.scid  }
0x8b: {  	s0 =	sand.u32 $0x1, s1  }
0x8c: {  	s17 =	sshll.u32 s0, $0xA;
	s2 =	sadd.s32 s3, s2  }
0x8d: {  	s2 =	sadd.s32 s2, s17  }
0x8e: {  	[smem:$0x3FC2] =	sst s2  }
0x8f: {  	_ = 	snop  }
0x90: {  	s2 =	sld [smem:$0x3FC8];
	(tm) =	ssettm $0x1  }
0x91: {  	s18 =	sld [smem:$0x3FFB];
	_ =	sdelay $0x3  }
0x92: {  	_ =	strace s18  }
0x93: {  	s3 =	sld [smem:$0x3FFC];
	_ =	sdelay $0x3  }
0x94: {  	_ =	strace s3  }
0x95: {  	s3 =	sld [smem:$0x3FFD];
	_ =	sdelay $0x3  }
0x96: {  	_ =	strace s3  }
0x97: {  	_ =	strace $0x8FFFFFFF  }
0x98: {  	s19 =	sld [smem:$0x3FDB];
	_ =	sdelay $0x1  }
0x99: {  	s4 =	simm.s32 $_scs_section_size  }
0x9a: {  	s5 =	simm.s32 $_size__tile_overlayer_lowered;
	s6 =	simm.s32 $_tile_overlayer_lowered  }
0x9b: {  	s22 =	simm.s32 $0x1BFF;
	s21 =	sshll.u32 s6, $0x1;
	s3 =	sadd.s32 s4, s19  }
0x9c: {  	s7 =	simm.s32 $0x0;
	s20 =	sshll.u32 s5, $0x1;
	s5 =	sadd.s32 s21, s3  }
0x9d: {  	[timem:s7], [sflag:s22] =	dma.local [hbm:s5], s20  }
0x9e: {  	_ =	swait.ge [sflag:s22], s20  }
0x9f: {  	s4 =	ssub.s32 $0x0, s20;
	[sflag:s22] =	ssyncset.done $0x0  }
0xa0: {  	[sflag:s22] =	ssyncadd.s32 s4;
	_ =	sdelay $0x1  }
0xa1: {  	s23 =	simm.s32 $0x1B8B  }
0xa2: {  	_ =	swait.ge [sflag:s23], $0x1  }
0xa3: {  	[sflag:s23] =	ssyncset.done $0x0  }
0xa4: {  	s25 =	simm.s32 $0x1B8E;
	s24 =	sld [smem:$0x3FFE];
	[sflag:s23] =	ssyncadd.s32 $0xFFFFFFFF  }
0xa5: {  	s26 =	simm.s32 $execute0_lowered;
	[smem:$0x3FD2] =	sst s25  }
0xa6: {  	s5 =	sshll.u32 s26, $0x1;
	_ =	strace $0x80000046;
	[dreg:$0x1] =	wrdreg $0xFFFFFFFF  }
0xa7: {  	s28 =	simm.s32 $_size_execute0_lowered;
	s3 =	sadd.s32 s3, s5;
	[dreg:$0x0] =	wrdreg $0x0  }
0xa8: {  	s5 =	sshll.u32 s28, $0x1;
	[dreg:$0x2] =	wrdreg s3  }
0xa9: {  	[dreg:$0x3] =	wrdreg s5  }
0xaa: {  	[dreg:$0x4] =	wrdreg $0xC0  }
0xab: {  	_ =	task [dreg:s7], $0x5FFFF  }
0xac: {  	[dreg:$0x1] =	wrdreg $0xFFFFFFFF  }
0xad: {  	[dreg:$0x0] =	wrdreg $0x60  }
0xae: {  	[dreg:$0x2] =	wrdreg s2  }
0xaf: {  	[dreg:$0x3] =	wrdreg s24  }
0xb0: {  	[dreg:$0x4] =	wrdreg $0x14D000  }
0xb1: {  	[dreg:$0x5] =	wrdreg $0xFE000  }
0xb2: {  	[dreg:$0x6] =	wrdreg $0x9  }
0xb3: {  	_ =	task.clear_ibuf [dreg:s7], $0x7FFFF;
	_ =	strace $0x90000046  }
0xb4: {  	s29 =	simm.s32 $0x9;
	_ =	strace $0x80000048  }
0xb5: {  	_ =	swait.ge [sflag:s29], $0x1  }
0xb6: {  	[sflag:s29] =	ssyncadd.s32 $0xFFFFFFFF  }
0xb7: {  	_ =	strace $0x90000048  }
0xb8: {  	_ =	sfence  }
0xb9: {  	s30 =	sld [smem:$0x0];
	_ =	sdelay $0x2  }
0xba: {  	s31 =	sshll.u32 s1, $0xD;
	s1 =	sshrl.u32 s1, $0x2  }
0xbb: {  	s3 =	sand.u32 $0x4000, s31;
	s1 =	sadd.s32 s1, s30  }
0xbc: {  	s0 =	sor.u32 s3, s0;
	s1 =	sshll.u32 s1, $0x11  }
0xbd: {  	s0 =	sor.u32 s1, s0  }
0xbe: {  	s0 =	sadd.s32 $0x8F2B, s0  }
0xbf: {  	[sflag:s0] =	ssyncadd.remote.s32 $0x1  }
0xc0: {  	_ =	sfence.sel $0xFFFF  }
0xc1: {  	[dreg:$0x0] =	wrdreg $0xFFFFFFFF;
	(pc) =	sbr.abs _section_cstart, $3  }
0xc2: {  	[dreg:$0x1] =	wrdreg $0xFFFFFFFF  }
0xc3: {  	_ =	task.clear_ibuf [dreg:s7], $0x2FFFF;
	_ =	strace $0x9FFFFFFF  }
0xc4: {  	(tm) =	ssettm $0x7FFFFFFF  }
0xc5: {  	_ =	shalt  }
tec
execute0_lowered:
.L_overlay_start_1:
0x0: {  	(tag) =	ssettag $0x1  }
0x1: {  	s0 =	rddreg [dreg:$0x0]  }
0x2: {  	s1 =	rddreg [dreg:$0x1]  }
0x3: {  	s2 =	rddreg [dreg:$0x2]  }
0x4: {  	s3 =	rddreg [dreg:$0x3]  }
0x5: {  	s11 =	stileid.u32;
	s5 =	srdreg.scid;
	s19 =	simm.s32 $0x0  }
0x6: {  	s12 =	simm.s32 $0xAF00;
	s13 =	simm.s32 $0xD;
	s14 =	simm.s32 $0x80  }
0x7: {  	s15 =	simm.s32 $0x4F00;
	s17 =	simm.s32 $0x5F00;
	s21 =	simm.s32 $0x7F00  }
0x8: {  	s28 =	simm.s32 $0x2;
	s30 =	simm.s32 $0x7;
	s16 =	simm.s32 $0x8  }
0x9: {  	s20 =	simm.s32 $0x4;
	s18 =	simm.s32 $0xA;
	s29 =	simm.s32 $0x6  }
0xa: {  	s22 =	simm.s32 $0xB;
	s7 =	smul.u32 $0x4F00, s11;
	s5 =	sand.u32 $0x1, s5  }
0xb: {  	[smem:$0x7FF] =	sst s19;
	s8 =	sshll.u32 s11, $0x1;
	p0 =	slt.u32 s11, $0xE  }
0xc: {  	s6 =	smul.u32 $0x4F000, s5;
	_ =	strace $0x80000047;
	s8 =	sor.u32 s5, s8  }
0xd: {  	s5 =	ssub.s32 $0x2, s5;
	s9 =	sshrl.u32 s7, $0x3;
	s10 =	smul.u32 $0x4E, s8  }
0xe: {  	s8 =	smax.u32 s8, $0x1C;
	s23 =	sshrl.u32 s5, $0x1;
	s25 =	sadd.s32 s7, s3  }
0xf: {  	s9 =	sadd.s32 s9, s1;
	s6 =	sadd.s32 s7, s6;
	s5 =	ssub.s32 s5, s23  }
0x10: {  	[dreg:$0x7] =	wrdreg s25;
	s23 =	simm.s32 $0x8F00;
	s25 =	simm.s32 $0x9F00  }
0x11: {  	s6 =	sshrl.u32 s6, $0x3;
	s8 =	sadd.s32 s10, s8;
	s24 =	sadd.s32 $0xB000, s9  }
0x12: {  	s4 =	sadd.s32 $0x1200, s9;
	s31 =	smax.u32 s5, $0x1;
	s5 =	simm.s32 $0x0  }
.Ltmp0:
0x13: {  	s1 =	sadd.s32 s6, s1;
	[dreg:$0x5] =	wrdreg s24;
	(pc) =	sbr.rel .LBB2_1-.Ltmp0, $4  }
0x14: {  	s8 =	sshll.u32 s8, $0x5;
	s6 =	sadd.s32 s7, s2;
	[dreg:$0x6] =	wrdreg s4  }
0x15: {  	[dreg:$0xa] =	wrdreg s31;
	s0 =	sadd.s32 s0, s8;
	s26 =	sadd.s32 $0x14E00, s1  }
0x16: {  	s24 =	simm.s32 $0x9;
	s0 =	sadd.s32 $0xFFFFFC80, s0;
	[dreg:$0x9] =	wrdreg s26  }
0x17: {  	s1 =	simm.s32 $0xC;
	s26 =	simm.s32 $0x1;
	[dreg:$0x8] =	wrdreg s0  }
.LBB2_4:
0x18: {  	_ =	swait.ge [sflag:s30], $0x1000  }
0x19: {  	[sflag:s30] =	ssyncset.done $0x0  }
0x1a: {  	[sflag:s30] =	ssyncadd.s32 $0xFFFFF000  }
0x1b: {  	_ =	swait.ge [sflag:s16], $0x1000  }
0x1c: {  	[sflag:s16] =	ssyncset.done $0x0  }
0x1d: {  	[sflag:s16] =	ssyncadd.s32 $0xFFFFF000  }
0x1e: {  	_ =	swait.ge [sflag:s24], $0x1000  }
0x1f: {  	[sflag:s24] =	ssyncset.done $0x0  }
0x20: {  	[sflag:s24] =	ssyncadd.s32 $0xFFFFF000  }
0x21: {  	_ =	swait.ge [sflag:s18], $0x1000  }
0x22: {  	[sflag:s18] =	ssyncset.done $0x0  }
0x23: {  	[sflag:s18] =	ssyncadd.s32 $0xFFFFF000  }
0x24: {  	_ =	swait.ge [sflag:s22], $0x1000  }
0x25: {  	[sflag:s22] =	ssyncset.done $0x0  }
0x26: {  	[sflag:s22] =	ssyncadd.s32 $0xFFFFF000  }
0x27: {  	_ =	swait.ge [sflag:s1], $0x1000  }
0x28: {  	s0 =	simm.s32 @!p0 $0x80;
	[sflag:s1] =	ssyncset.done $0x0  }
0x29: {  	s6 =	simm.s32 @!p0 $0x4E00;
	s7 =	simm.s32 @!p0 $0x4F00;
	[sflag:s1] =	ssyncadd.s32 $0xFFFFF000  }
0x2a: {  	[tilespmem:s7], [sflag:$0x1] =	stream.indirect.gather @!p0 [spmem:s3], $0x20, s6, s0, $0xb8;
	[tilespmem:$0x19C00] =	vst v63  }
0x2b: {  	s6 =	simm.s32 @!p0 $0x1  }
0x2c: {  	_ =	swait.ge @!p0 [sflag:s6], $0x1000  }
0x2d: {  	[sflag:s6] =	ssyncset.done @!p0 $0x0  }
0x2e: {  	[sflag:s6] =	ssyncadd.s32 @!p0 $0xFFFFF000;
	s6 =	simm.s32 @!p0 $0x4E80  }
0x2f: {  	[spmem:s2] =	stream.indirect.scatter.add.f32 @!p0 [tilespmem:s7], [sflag:$0xD], $0x20, s6, s0, $0xb8;
	[tilespmem:$0x19C00] =	vst v63  }
0x30: {  	s0 =	simm.s32 @!p0 $0xD  }
0x31: {  	_ =	swait.ge @!p0 [sflag:s0], $0x1000  }
0x32: {  	[sflag:s0] =	ssyncset.done @!p0 $0x0  }
0x33: {  	[sflag:s0] =	ssyncadd.s32 @!p0 $0xFFFFF000  }
0x34: {  	[bflag:$0x0] =	sbarrier.arrive $0xFFFF  }
0x35: {  	[tilespmem:s12], [sflag:$0xD] =	stream.linear.gather [spmem:s4], $0x4F00, $0x38;
	[tilespmem:$0x19C00] =	vst v63  }
0x36: {  	_ =	swait.ge [sflag:s13], $0x4F00  }
0x37: {  	[sflag:s13] =	ssyncset.done $0x0  }
0x38: {  	s19 =	simm.s32 $0x0;
	s11 =	rddreg [dreg:$0x9];
	[sflag:s13] =	ssyncadd.s32 $0xFFFFB100  }
0x39: {  	[hbm4b:s11+s19] =	stream.linear.scatter [tilespmem:s12], [sflag:$0xD], $0x4F00, $0x38;
	[tilespmem:$0x19C00] =	vst v63  }
0x3a: {  	_ =	swait.ge [sflag:s13], $0x4F00  }
0x3b: {  	s5 =	sadd.s32 $0x1, s5;
	s31 =	rddreg [dreg:$0xa]  }
0x3c: {  	p1 =	sne.s32 s5, s31  }
.Ltmp1:
0x3d: {  	_ = 	snop;
	(pc) =	sbr.rel @!p1 .LBB2_5-.Ltmp1, $3  }
0x3e: {  	_ =	sdelay $0x1  }
0x3f: {  	[sflag:s13] =	ssyncset.done $0x0  }
0x40: {  	s6 =	smov.u32 s4;
	[sflag:s13] =	ssyncadd.s32 $0xFFFFB100  }
.LBB2_1:
0x41: {  	s0 =	rddreg [dreg:$0x5]  }
0x42: {  	[tilespmem:s12], [sflag:$0xD] =	stream.linear.gather [hbm4b:s0+s19], $0x4F00, $0x38;
	[tilespmem:$0x19C00] =	vst v63  }
0x43: {  	_ =	swait.ge [sflag:s13], $0x4F00  }
0x44: {  	[sflag:s13] =	ssyncset.done $0x0  }
0x45: {  	[sflag:s13] =	ssyncadd.s32 $0xFFFFB100  }
0x46: {  	[spmem:s6] =	stream.linear.scatter [tilespmem:s12], [sflag:$0xD], $0x4F00, $0x38;
	[tilespmem:$0x19C00] =	vst v63  }
0x47: {  	_ =	swait.ge [sflag:s13], $0x4F00  }
0x48: {  	[sflag:s13] =	ssyncset.done $0x0  }
0x49: {  	s8 =	rddreg [dreg:$0x6];
	[sflag:s13] =	ssyncadd.s32 $0xFFFFB100  }
0x4a: {  	[tilespmem:s12], [sflag:$0xD] =	stream.linear.gather [hbm4b:s8+s19], $0x4F00, $0x38;
	[tilespmem:$0x19C00] =	vst v63  }
0x4b: {  	_ =	swait.ge [sflag:s13], $0x4F00  }
0x4c: {  	[sflag:s13] =	ssyncset.done $0x0  }
0x4d: {  	s9 =	rddreg [dreg:$0x7];
	[sflag:s13] =	ssyncadd.s32 $0xFFFFB100  }
0x4e: {  	[spmem:s9] =	stream.linear.scatter [tilespmem:s12], [sflag:$0xD], $0x4F00, $0x38;
	[tilespmem:$0x19C00] =	vst v63  }
0x4f: {  	_ =	swait.ge [sflag:s13], $0x4F00  }
0x50: {  	[sflag:s13] =	ssyncset.done $0x0  }
0x51: {  	s10 =	rddreg [dreg:$0x8];
	[sflag:s13] =	ssyncadd.s32 $0xFFFFB100  }
0x52: {  	[tilespmem:s19], [sflag:$0xD] =	stream.linear.gather [hbm4b:s10+s19], $0x4F00, $0x38;
	[tilespmem:$0x19C00] =	vst v63  }
0x53: {  	_ =	swait.ge [sflag:s13], $0x4F00  }
0x54: {  	[sflag:s13] =	ssyncset.done $0x0  }
0x55: {  	[sflag:s13] =	ssyncadd.s32 $0xFFFFB100  }
0x56: {  	[bflag:$0x0] =	sbarrier.arrive $0xFFFF  }
0x57: {  	[tilespmem:s15], [sflag:$0x1] =	stream.indirect.gather [spmem:s3], $0x20, s19, s14, $0xb8;
	[tilespmem:$0x19C00] =	vst v63  }
0x58: {  	s11 =	simm.s32 $0x100  }
0x59: {  	[tilespmem:s17], [sflag:$0x2] =	stream.indirect.gather [spmem:s3], $0x20, s11, s14, $0xb8;
	[tilespmem:$0x19C00] =	vst v63  }
0x5a: {  	s4 =	smov.u32 s6;
	s6 =	simm.s32 $0x6F00;
	s19 =	simm.s32 $0x200  }
0x5b: {  	[tilespmem:s6], [sflag:$0x3] =	stream.indirect.gather [spmem:s3], $0x20, s19, s14, $0xb8;
	[tilespmem:$0x19C00] =	vst v63  }
0x5c: {  	s31 =	simm.s32 $0x300  }
0x5d: {  	[tilespmem:s21], [sflag:$0x4] =	stream.indirect.gather [spmem:s3], $0x20, s31, s14, $0xb8;
	[tilespmem:$0x19C00] =	vst v63  }
0x5e: {  	s7 =	simm.s32 $0x400  }
0x5f: {  	[tilespmem:s23], [sflag:$0x5] =	stream.indirect.gather [spmem:s3], $0x20, s7, s14, $0xb8;
	[tilespmem:$0x19C00] =	vst v63  }
0x60: {  	s8 =	simm.s32 $0x500  }
0x61: {  	[tilespmem:s25], [sflag:$0x6] =	stream.indirect.gather [spmem:s3], $0x20, s8, s14, $0xb8;
	[tilespmem:$0x19C00] =	vst v63  }
0x62: {  	_ =	swait.ge [sflag:s26], $0x1000  }
0x63: {  	[sflag:s26] =	ssyncset.done $0x0  }
0x64: {  	[sflag:s26] =	ssyncadd.s32 $0xFFFFF000  }
0x65: {  	[spmem:s2] =	stream.indirect.scatter.add.f32 [tilespmem:s15], [sflag:$0x7], $0x20, s14, s14, $0xb8;
	[tilespmem:$0x19C00] =	vst v63  }
0x66: {  	_ =	swait.ge [sflag:s28], $0x1000  }
0x67: {  	[sflag:s28] =	ssyncset.done $0x0  }
0x68: {  	s9 =	simm.s32 $0x180;
	[sflag:s28] =	ssyncadd.s32 $0xFFFFF000  }
0x69: {  	[spmem:s2] =	stream.indirect.scatter.add.f32 [tilespmem:s17], [sflag:$0x8], $0x20, s9, s14, $0xb8;
	[tilespmem:$0x19C00] =	vst v63  }
0x6a: {  	_ =	swait.ge [sflag:s30], $0x1000  }
0x6b: {  	[sflag:s30] =	ssyncset.done $0x0  }
0x6c: {  	s10 =	simm.s32 $0x600;
	s11 =	simm.s32 $0x3;
	[sflag:s30] =	ssyncadd.s32 $0xFFFFF000  }
0x6d: {  	[tilespmem:s15], [sflag:$0x1] =	stream.indirect.gather [spmem:s3], $0x20, s10, s14, $0xb8;
	[tilespmem:$0x19C00] =	vst v63  }
0x6e: {  	_ =	swait.ge [sflag:s11], $0x1000  }
0x6f: {  	[sflag:s11] =	ssyncset.done $0x0  }
0x70: {  	s19 =	simm.s32 $0x280;
	[sflag:s11] =	ssyncadd.s32 $0xFFFFF000  }
0x71: {  	[spmem:s2] =	stream.indirect.scatter.add.f32 [tilespmem:s6], [sflag:$0x9], $0x20, s19, s14, $0xb8;
	[tilespmem:$0x19C00] =	vst v63  }
0x72: {  	_ =	swait.ge [sflag:s16], $0x1000  }
0x73: {  	[sflag:s16] =	ssyncset.done $0x0  }
0x74: {  	s31 =	simm.s32 $0x700;
	[sflag:s16] =	ssyncadd.s32 $0xFFFFF000  }
0x75: {  	[tilespmem:s17], [sflag:$0x2] =	stream.indirect.gather [spmem:s3], $0x20, s31, s14, $0xb8;
	[tilespmem:$0x19C00] =	vst v63  }
0x76: {  	_ =	swait.ge [sflag:s20], $0x1000  }
0x77: {  	[sflag:s20] =	ssyncset.done $0x0  }
0x78: {  	s7 =	simm.s32 $0x380;
	[sflag:s20] =	ssyncadd.s32 $0xFFFFF000  }
0x79: {  	[spmem:s2] =	stream.indirect.scatter.add.f32 [tilespmem:s21], [sflag:$0xA], $0x20, s7, s14, $0xb8;
	[tilespmem:$0x19C00] =	vst v63  }
0x7a: {  	_ =	swait.ge [sflag:s24], $0x1000  }
0x7b: {  	[sflag:s24] =	ssyncset.done $0x0  }
0x7c: {  	s8 =	simm.s32 $0x800;
	s9 =	simm.s32 $0x5;
	[sflag:s24] =	ssyncadd.s32 $0xFFFFF000  }
0x7d: {  	[tilespmem:s6], [sflag:$0x3] =	stream.indirect.gather [spmem:s3], $0x20, s8, s14, $0xb8;
	[tilespmem:$0x19C00] =	vst v63  }
0x7e: {  	_ =	swait.ge [sflag:s9], $0x1000  }
0x7f: {  	[sflag:s9] =	ssyncset.done $0x0  }
0x80: {  	s10 =	simm.s32 $0x480;
	[sflag:s9] =	ssyncadd.s32 $0xFFFFF000  }
0x81: {  	[spmem:s2] =	stream.indirect.scatter.add.f32 [tilespmem:s23], [sflag:$0xB], $0x20, s10, s14, $0xb8;
	[tilespmem:$0x19C00] =	vst v63  }
0x82: {  	_ =	swait.ge [sflag:s18], $0x1000  }
0x83: {  	[sflag:s18] =	ssyncset.done $0x0  }
0x84: {  	s11 =	simm.s32 $0x900;
	[sflag:s18] =	ssyncadd.s32 $0xFFFFF000  }
0x85: {  	[tilespmem:s21], [sflag:$0x4] =	stream.indirect.gather [spmem:s3], $0x20, s11, s14, $0xb8;
	[tilespmem:$0x19C00] =	vst v63  }
0x86: {  	_ =	swait.ge [sflag:s29], $0x1000  }
0x87: {  	[sflag:s29] =	ssyncset.done $0x0  }
0x88: {  	s19 =	simm.s32 $0x580;
	[sflag:s29] =	ssyncadd.s32 $0xFFFFF000  }
0x89: {  	[spmem:s2] =	stream.indirect.scatter.add.f32 [tilespmem:s25], [sflag:$0xC], $0x20, s19, s14, $0xb8;
	[tilespmem:$0x19C00] =	vst v63  }
0x8a: {  	_ =	swait.ge [sflag:s22], $0x1000  }
0x8b: {  	[sflag:s22] =	ssyncset.done $0x0  }
0x8c: {  	s31 =	simm.s32 $0xA00;
	s7 =	simm.s32 $0x0;
	[sflag:s22] =	ssyncadd.s32 $0xFFFFF000  }
0x8d: {  	[tilespmem:s23], [sflag:$0x5] =	stream.indirect.gather [spmem:s3], $0x20, s31, s14, $0xb8;
	[tilespmem:$0x19C00] =	vst v63  }
.LBB2_2:
0x8e: {  	_ =	swait.ge [sflag:s26], $0x1000  }
0x8f: {  	s8 =	sshra.s32 s7, $0x2;
	[sflag:s26] =	ssyncset.done $0x0  }
0x90: {  	s9 =	sadd.s32 $0x680, s8;
	[sflag:s26] =	ssyncadd.s32 $0xFFFFF000  }
0x91: {  	[spmem:s2] =	stream.indirect.scatter.add.f32 [tilespmem:s15], [sflag:$0x7], $0x20, s9, s14, $0xb8;
	[tilespmem:$0x19C00] =	vst v63  }
0x92: {  	_ =	swait.ge [sflag:s1], $0x1000  }
0x93: {  	[sflag:s1] =	ssyncset.done $0x0  }
0x94: {  	s10 =	sadd.s32 $0xB00, s8;
	[sflag:s1] =	ssyncadd.s32 $0xFFFFF000  }
0x95: {  	[tilespmem:s25], [sflag:$0x6] =	stream.indirect.gather [spmem:s3], $0x20, s10, s14, $0xb8;
	[tilespmem:$0x19C00] =	vst v63  }
0x96: {  	_ =	swait.ge [sflag:s28], $0x1000  }
0x97: {  	p1 =	seq.s32 s7, $0x10800;
	[sflag:s28] =	ssyncset.done $0x0  }
0x98: {  	s11 =	sadd.s32 $0x780, s8;
	s9 =	simm.s32 @p1 $0x3;
	[sflag:s28] =	ssyncadd.s32 $0xFFFFF000  }
0x99: {  	[spmem:s2] =	stream.indirect.scatter.add.f32 [tilespmem:s17], [sflag:$0x8], $0x20, s11, s14, $0xb8;
	[tilespmem:$0x19C00] =	vst v63  }
0x9a: {  	_ =	swait.ge @p1 [sflag:s9], $0x1000  }
0x9b: {  	[sflag:s9] =	ssyncset.done @p1 $0x0  }
0x9c: {  	[sflag:s9] =	ssyncadd.s32 @p1 $0xFFFFF000;
	s9 =	sshra.s32 @p1 s7, $0x2  }
0x9d: {  	s19 =	simm.s32 @p1 $0x6F00;
	s11 =	simm.s32 @p1 $0x80;
	s10 =	sadd.s32 @p1 $0x880, s9  }
0x9e: {  	[spmem:s2] =	stream.indirect.scatter.add.f32 @p1 [tilespmem:s19], [sflag:$0x9], $0x20, s10, s11, $0xb8;
	[tilespmem:$0x19C00] =	vst v63  }
0x9f: {  	s10 =	simm.s32 @!p1 $0x7  }
0xa0: {  	_ =	swait.ge @!p1 [sflag:s10], $0x1000  }
0xa1: {  	[sflag:s10] =	ssyncset.done @!p1 $0x0  }
0xa2: {  	[sflag:s10] =	ssyncadd.s32 @!p1 $0xFFFFF000;
	s10 =	sshra.s32 @!p1 s7, $0x2  }
0xa3: {  	s0 =	simm.s32 @!p1 $0x80;
	s31 =	simm.s32 @!p1 $0x4F00;
	s19 =	sadd.s32 @!p1 $0xC00, s10  }
0xa4: {  	[tilespmem:s31], [sflag:$0x1] =	stream.indirect.gather @!p1 [spmem:s3], $0x20, s19, s0, $0xb8;
	[tilespmem:$0x19C00] =	vst v63  }
0xa5: {  	s19 =	simm.s32 @!p1 $0x3  }
0xa6: {  	_ =	swait.ge @!p1 [sflag:s19], $0x1000  }
0xa7: {  	[sflag:s19] =	ssyncset.done @!p1 $0x0  }
0xa8: {  	s31 =	simm.s32 @!p1 $0x6F00;
	[sflag:s19] =	ssyncadd.s32 @!p1 $0xFFFFF000;
	s19 =	sadd.s32 @!p1 $0x880, s10  }
0xa9: {  	[spmem:s2] =	stream.indirect.scatter.add.f32 @!p1 [tilespmem:s31], [sflag:$0x9], $0x20, s19, s0, $0xb8;
	[tilespmem:$0x19C00] =	vst v63  }
0xaa: {  	s19 =	simm.s32 @!p1 $0x8  }
0xab: {  	_ =	swait.ge @!p1 [sflag:s19], $0x1000  }
0xac: {  	[sflag:s19] =	ssyncset.done @!p1 $0x0  }
0xad: {  	s6 =	simm.s32 @!p1 $0x5F00;
	[sflag:s19] =	ssyncadd.s32 @!p1 $0xFFFFF000;
	s19 =	sadd.s32 @!p1 $0xD00, s10  }
0xae: {  	[tilespmem:s6], [sflag:$0x2] =	stream.indirect.gather @!p1 [spmem:s3], $0x20, s19, s0, $0xb8;
	[tilespmem:$0x19C00] =	vst v63  }
0xaf: {  	_ =	swait.ge [sflag:s20], $0x1000  }
0xb0: {  	[sflag:s20] =	ssyncset.done $0x0  }
0xb1: {  	s19 =	sadd.s32 $0x980, s8;
	s6 =	simm.s32 @p1 $0x5;
	[sflag:s20] =	ssyncadd.s32 $0xFFFFF000  }
0xb2: {  	[spmem:s2] =	stream.indirect.scatter.add.f32 [tilespmem:s21], [sflag:$0xA], $0x20, s19, s14, $0xb8;
	[tilespmem:$0x19C00] =	vst v63  }
0xb3: {  	_ =	swait.ge @p1 [sflag:s6], $0x1000  }
0xb4: {  	[sflag:s6] =	ssyncset.done @p1 $0x0  }
0xb5: {  	[sflag:s6] =	ssyncadd.s32 @p1 $0xFFFFF000;
	s6 =	sadd.s32 @p1 $0xA80, s9;
	s9 =	simm.s32 @p1 $0x8F00  }
0xb6: {  	[spmem:s2] =	stream.indirect.scatter.add.f32 @p1 [tilespmem:s9], [sflag:$0xB], $0x20, s6, s11, $0xb8;
	[tilespmem:$0x19C00] =	vst v63  }
0xb7: {  	s6 =	simm.s32 @!p1 $0x9  }
0xb8: {  	_ =	swait.ge @!p1 [sflag:s6], $0x1000  }
0xb9: {  	[sflag:s6] =	ssyncset.done @!p1 $0x0  }
0xba: {  	[sflag:s6] =	ssyncadd.s32 @!p1 $0xFFFFF000;
	s6 =	sadd.s32 @!p1 $0xE00, s10  }
0xbb: {  	[tilespmem:s31], [sflag:$0x3] =	stream.indirect.gather @!p1 [spmem:s3], $0x20, s6, s0, $0xb8;
	[tilespmem:$0x19C00] =	vst v63  }
0xbc: {  	s6 =	simm.s32 @!p1 $0x5  }
0xbd: {  	_ =	swait.ge @!p1 [sflag:s6], $0x1000  }
0xbe: {  	[sflag:s6] =	ssyncset.done @!p1 $0x0  }
0xbf: {  	s9 =	simm.s32 @!p1 $0x8F00;
	[sflag:s6] =	ssyncadd.s32 @!p1 $0xFFFFF000;
	s6 =	sadd.s32 @!p1 $0xA80, s10  }
0xc0: {  	[spmem:s2] =	stream.indirect.scatter.add.f32 @!p1 [tilespmem:s9], [sflag:$0xB], $0x20, s6, s0, $0xb8;
	[tilespmem:$0x19C00] =	vst v63  }
0xc1: {  	s6 =	simm.s32 @!p1 $0xA  }
0xc2: {  	_ =	swait.ge @!p1 [sflag:s6], $0x1000  }
0xc3: {  	[sflag:s6] =	ssyncset.done @!p1 $0x0  }
0xc4: {  	s9 =	simm.s32 @!p1 $0x7F00;
	[sflag:s6] =	ssyncadd.s32 @!p1 $0xFFFFF000;
	s6 =	sadd.s32 @!p1 $0xF00, s10  }
0xc5: {  	[tilespmem:s9], [sflag:$0x4] =	stream.indirect.gather @!p1 [spmem:s3], $0x20, s6, s0, $0xb8;
	[tilespmem:$0x19C00] =	vst v63  }
.Ltmp2:
0xc6: {  	_ = 	snop;
	(pc) =	sbr.rel @p1 .LBB2_4-.Ltmp2, $4  }
0xc7: {  	_ =	swait.ge [sflag:s29], $0x1000  }
0xc8: {  	[sflag:s29] =	ssyncset.done $0x0  }
0xc9: {  	s31 =	sadd.s32 $0xB80, s8;
	[sflag:s29] =	ssyncadd.s32 $0xFFFFF000  }
0xca: {  	[spmem:s2] =	stream.indirect.scatter.add.f32 [tilespmem:s25], [sflag:$0xC], $0x20, s31, s14, $0xb8;
	[tilespmem:$0x19C00] =	vst v63  }
.Ltmp3:
0xcb: {  	(pc) =	sbr.rel .LBB2_2-.Ltmp3, $4  }
0xcc: {  	_ =	swait.ge [sflag:s22], $0x1000  }
0xcd: {  	[sflag:s22] =	ssyncset.done $0x0  }
0xce: {  	s0 =	sadd.s32 $0x1000, s8;
	s7 =	sadd.s32 $0x1800, s7;
	[sflag:s22] =	ssyncadd.s32 $0xFFFFF000  }
0xcf: {  	[tilespmem:s23], [sflag:$0x5] =	stream.indirect.gather [spmem:s3], $0x20, s0, s14, $0xb8;
	[tilespmem:$0x19C00] =	vst v63  }
.LBB2_5:
0xd0: {  	_ =	sfence.sel $0x180000  }
0xd1: {  	[bflag:$0x0] =	sbarrier.arrive $0xFFFF  }
0xd2: {  	_ =	strace $0x90000047  }
0xd3: {  	s0 =	stileid.u32;
	[bflag:$0x2] =	sbarrier.arrive $0xFFFF  }
0xd4: {  	p0 =	sne.s32 s0, $0x0;
	s0 =	rddreg [dreg:$0x4]  }
0xd5: {  	s0 =	sadd.s32 @!p0 $0x100000, s0  }
0xd6: {  	[sflag:s0] =	ssyncadd.tile.s32 @!p0 $0x1;
	_ =	shalt  }
.Lfunc_end2:
_tile_overlayer_lowered:
.L_overlay_start_2:
0xd7: {  	(tag) =	ssettag $0x2  }
0xd8: {  	s0 =	rddreg [dreg:$0x0];
	s2 =	stileid.u32  }
0xd9: {  	s1 =	rddreg [dreg:$0x1];
	p0 =	sne.s32 s2, $0x0  }
0xda: {  	s3 =	rddreg [dreg:$0x2];
	[bflag:$0x3] =	sbarrier.arrive $0xFFFF;
	s2 =	simm.s32 @!p0 $0x1C0D  }
0xdb: {  	[timem:s3], [sflag:s2] =	dma.local @!p0 [hbm:s0], s1  }
0xdc: {  	s0 =	simm.s32 @!p0 $0xD  }
0xdd: {  	_ =	swait.ge @!p0 [sflag:s0], s1  }
0xde: {  	s1 =	ssub.s32 @!p0 $0x0, s1;
	[sflag:s0] =	ssyncset.done @!p0 $0x0  }
0xdf: {  	[sflag:s0] =	ssyncadd.s32 @!p0 s1  }
0xe0: {  	[bflag:$0x3] =	sbarrier.arrive $0xFFFF  }
0xe1: {  	_ =	shalt  }

</sc_bundles>
